<compile_context>
chip_gen: v7x
topology: tpu7x:2x2x1
jax: 0.10.2.dev20260603
libtpu: 0.0.44.dev20260713+nightly
codegen_flags: <defaults>
</compile_context>

<pallas_src>
import jax
import jax.numpy as jnp
from jax.experimental import pallas as pl
from jax.experimental.pallas import tpu as pltpu
from jax.experimental.pallas import tpu_sc as plsc

HEADS = 8
DH = 64
KD, KH, KW = 8, 16, 16
D, H, W = 16, 32, 32
NPOS = D * H * W
NQ = 8 * 16 * 16
NSEL = KD * KH * KW
INNER = HEADS * DH
HIGH = jax.lax.Precision.HIGHEST


def _head_eye(dtype=jnp.float32):
    i = jax.lax.broadcasted_iota(jnp.int32, (INNER, HEADS), 0)
    j = jax.lax.broadcasted_iota(jnp.int32, (INNER, HEADS), 1)
    return (i // DH == j).astype(dtype)


def _chan_norm_rows(x, g, b):
    mean = jnp.mean(x, axis=1, keepdims=True)
    var = jnp.mean((x - mean) ** 2, axis=1, keepdims=True)
    return g * (x - mean) / (jnp.sqrt(var) + 1e-6) + b


def _l2norm_heads(t):
    n2 = jax.lax.dot_general(t * t, _head_eye(), (((1,), (0,)), ((), ())),
                             preferred_element_type=jnp.float32,
                             precision=HIGH)
    n = jnp.maximum(jnp.sqrt(n2), 1e-12)
    parts = [t[:, h * DH:(h + 1) * DH] / n[:, h:h + 1] for h in range(HEADS)]
    return jnp.concatenate(parts, axis=1)


def _ctx_body(ctx_ref, g_ref, b_ref, wk_ref, cn_ref, kd_ref, kh_ref, kw_ref):
    d = pl.program_id(0)
    x = ctx_ref[...]
    xn = _chan_norm_rows(x, g_ref[...], b_ref[...])
    cn_ref[...] = xn
    k = jax.lax.dot_general(xn, wk_ref[...], (((1,), (1,)), ((), ())),
                            preferred_element_type=jnp.float32)
    ka = jnp.abs(_l2norm_heads(k))
    kd_ref[0] = jnp.sum(ka, axis=0, keepdims=True)
    ka3 = ka.reshape(H, W, INNER)
    kh_row = jnp.sum(ka3, axis=1)
    kw_row = jnp.sum(ka3, axis=0)

    @pl.when(d == 0)
    def _():
        kh_ref[...] = kh_row
        kw_ref[...] = kw_row

    @pl.when(d != 0)
    def _():
        kh_ref[...] += kh_row
        kw_ref[...] += kw_row


def _q_body(qs_ref, g_ref, b_ref, wq_ref, q_ref, qp_ref):
    x = qs_ref[...]
    xn = _chan_norm_rows(x, g_ref[...], b_ref[...])
    q = jax.lax.dot_general(xn, wq_ref[...], (((1,), (1,)), ((), ())),
                            preferred_element_type=jnp.float32)
    qn = _l2norm_heads(q)
    for h in range(HEADS):
        q_ref[h] = qn[:, h * DH:(h + 1) * DH].astype(jnp.bfloat16)
    qp_ref[...] = jnp.sum(qn, axis=0, keepdims=True)


def _scores(sums, qp):
    sums = sums.astype(jnp.bfloat16).astype(jnp.float32)
    qp = qp.astype(jnp.bfloat16).astype(jnp.float32)
    prod = sums * qp
    cols = [jnp.sum(prod[:, h * DH:(h + 1) * DH], axis=1, keepdims=True)
            for h in range(HEADS)]
    return jnp.concatenate(cols, axis=1)


def _topk_into(s, k, out_ref):
    L = s.shape[0]
    iota = jax.lax.broadcasted_iota(jnp.int32, s.shape, 0)
    for t in range(k):
        m = jnp.max(s, axis=0, keepdims=True)
        am = jnp.min(jnp.where(s == m, iota, L), axis=0, keepdims=True)
        out_ref[pl.ds(t, 1), :] = am
        s = jnp.where(iota == am, -jnp.inf, s)


def _topk_body(qp_ref, kd_ref, kh_ref, kw_ref, id_ref, ih_ref, iw_ref):
    qp = qp_ref[...]
    _topk_into(_scores(kd_ref[...], qp), KD, id_ref)
    _topk_into(_scores(kh_ref[...], qp), KH, ih_ref)
    _topk_into(_scores(kw_ref[...], qp), KW, iw_ref)


def _attn_body(q_ref, cs_ref, wk_ref, wv_ref, o_ref):
    cs = cs_ref[0]
    k = jax.lax.dot_general(cs, wk_ref[...], (((1,), (1,)), ((), ())),
                            preferred_element_type=jnp.float32)
    n2 = jax.lax.dot_general(k * k, jnp.ones((DH, 8), jnp.float32),
                             (((1,), (0,)), ((), ())),
                             preferred_element_type=jnp.float32,
                             precision=HIGH)[:, :1]
    kn = (k / jnp.maximum(jnp.sqrt(n2), 1e-12)).astype(jnp.bfloat16)
    v = jax.lax.dot_general(cs, wv_ref[...], (((1,), (1,)), ((), ())),
                            preferred_element_type=jnp.float32)
    q = q_ref[0]
    sim = jax.lax.dot_general(q, kn, (((1,), (1,)), ((), ())),
                              preferred_element_type=jnp.float32)
    m = jnp.max(sim, axis=1, keepdims=True)
    e = jnp.exp(sim - m)
    s = jnp.sum(e, axis=1, keepdims=True)
    o = jnp.dot(e, v, preferred_element_type=jnp.float32)
    o_ref[0] = o / s


def _out_body(attn_ref, wout_ref, g_ref, b_ref, qs_ref, gamma_ref, o_ref):
    attn = jnp.concatenate([attn_ref[h] for h in range(HEADS)], axis=1)
    o = jax.lax.dot_general(wout_ref[...], attn,
                            (((1,), (1,)), ((), ())),
                            preferred_element_type=jnp.float32)
    mean = jnp.mean(o, axis=0, keepdims=True)
    var = jnp.mean((o - mean) ** 2, axis=0, keepdims=True)
    on = g_ref[...] * (o - mean) / (jnp.sqrt(var) + 1e-6) + b_ref[...]
    o_ref[...] = gamma_ref[0, 0] * on + qs_ref[...]


def _sc_gather(table, indices):
    n_idx = indices.shape[1]
    win = 128
    mesh = plsc.VectorSubcoreMesh(core_axis_name="core",
                                  subcore_axis_name="subcore")

    @pl.kernel(out_type=jax.ShapeDtypeStruct((n_idx, table.shape[1]),
                                             table.dtype),
               mesh=mesh)
    def kern(x_hbm, i_hbm, o_hbm):
        def body(i_vmem, o_vmem):
            pltpu.sync_copy(x_hbm.at[i_vmem.at[0]], o_vmem)

        pltpu.emit_pipeline(
            body,
            grid=(n_idx // win,),
            in_specs=[pl.BlockSpec((1, win), index_map=lambda i: (0, i))],
            out_specs=[pl.BlockSpec((win, table.shape[1]),
                                    index_map=lambda i: (i, 0))],
            core_axis_name="subcore",
            dimension_semantics=(pltpu.PARALLEL,),
        )(i_hbm, o_hbm)

    return kern(table, indices)


def kernel(query_source, context, cn_gamma, cn_beta, qs_gamma, qs_beta,
           W_kv, W_q, W_out, on_gamma, on_beta, gamma):
    dim = context.shape[1]
    ctx_t = context.reshape(dim, NPOS).T
    qs_t = query_source.reshape(dim, NQ).T
    qs_cm = query_source.reshape(dim, NQ)
    cn_g = cn_gamma.reshape(1, dim)
    cn_b = cn_beta.reshape(1, dim)
    qs_g = qs_gamma.reshape(1, dim)
    qs_b = qs_beta.reshape(1, dim)
    on_g = on_gamma.reshape(dim, 1)
    on_b = on_beta.reshape(dim, 1)
    W_k = W_kv[:INNER]
    W_v = W_kv[INNER:]

    ctxn_rows, ksum_d, ksum_h, ksum_w = pl.pallas_call(
        _ctx_body,
        grid=(D,),
        in_specs=[
            pl.BlockSpec((H * W, dim), lambda d: (d, 0)),
            pl.BlockSpec((1, dim), lambda d: (0, 0)),
            pl.BlockSpec((1, dim), lambda d: (0, 0)),
            pl.BlockSpec((INNER, dim), lambda d: (0, 0)),
        ],
        out_specs=[
            pl.BlockSpec((H * W, dim), lambda d: (d, 0)),
            pl.BlockSpec((1, 1, INNER), lambda d: (d, 0, 0)),
            pl.BlockSpec((H, INNER), lambda d: (0, 0)),
            pl.BlockSpec((W, INNER), lambda d: (0, 0)),
        ],
        out_shape=[
            jax.ShapeDtypeStruct((NPOS, dim), jnp.float32),
            jax.ShapeDtypeStruct((D, 1, INNER), jnp.float32),
            jax.ShapeDtypeStruct((H, INNER), jnp.float32),
            jax.ShapeDtypeStruct((W, INNER), jnp.float32),
        ],
    )(ctx_t, cn_g, cn_b, W_k)
    ksum_d = ksum_d.reshape(D, INNER)

    q_rows, q_probe = pl.pallas_call(
        _q_body,
        out_shape=[
            jax.ShapeDtypeStruct((HEADS, NQ, DH), jnp.bfloat16),
            jax.ShapeDtypeStruct((1, INNER), jnp.float32),
        ],
    )(qs_t, qs_g, qs_b, W_q)

    id_t, ih_t, iw_t = pl.pallas_call(
        _topk_body,
        out_shape=[
            jax.ShapeDtypeStruct((KD, HEADS), jnp.int32),
            jax.ShapeDtypeStruct((KH, HEADS), jnp.int32),
            jax.ShapeDtypeStruct((KW, HEADS), jnp.int32),
        ],
    )(q_probe, ksum_d, ksum_h, ksum_w)

    idx_d = id_t.T
    idx_h = ih_t.T
    idx_w = iw_t.T
    flat = (idx_d[:, :, None, None] * (H * W)
            + idx_h[:, None, :, None] * W + idx_w[:, None, None, :])
    flat = flat.reshape(1, HEADS * NSEL)

    ctx_sel = _sc_gather(ctxn_rows, flat)
    ctx_sel = ctx_sel.reshape(HEADS, NSEL, dim)

    attn_out = pl.pallas_call(
        _attn_body,
        grid=(HEADS,),
        in_specs=[
            pl.BlockSpec((1, NQ, DH), lambda h: (h, 0, 0)),
            pl.BlockSpec((1, NSEL, dim), lambda h: (h, 0, 0)),
            pl.BlockSpec((DH, dim), lambda h: (h, 0)),
            pl.BlockSpec((DH, dim), lambda h: (h, 0)),
        ],
        out_specs=pl.BlockSpec((1, NQ, DH), lambda h: (h, 0, 0)),
        out_shape=jax.ShapeDtypeStruct((HEADS, NQ, DH), jnp.float32),
    )(q_rows, ctx_sel, W_k, W_v)

    out_cm = pl.pallas_call(
        _out_body,
        out_shape=jax.ShapeDtypeStruct((dim, NQ), jnp.float32),
    )(attn_out, W_out, on_g, on_b, qs_cm, gamma.reshape(1, 1))

    return out_cm.reshape(query_source.shape)

# --- scband reference (transcript-rebuilt; emitter-appended) ---
"""Pipeline reference for scband-dpca3-d-41016937676862 (READ-ONLY COPY).

The authoritative reference and input builder live on the scoring server;
editing this copy changes nothing except your own understanding.
"""

import jax, jax.numpy as jnp
import numpy as np

HEADS = 8
DIM_HEAD = 64
DEPTH_TOP_K = 8
HEIGHT_TOP_K = 16
WIDTH_TOP_K = 16


def _chan_norm(x, g, b):
    mean = jnp.mean(x, axis=1, keepdims=True)
    var = jnp.var(x, axis=1, keepdims=True)
    return g * (x - mean) / (jnp.sqrt(var) + 1e-06) + b


def _l2norm(t):
    n = jnp.sqrt(jnp.sum(t * t, axis=1, keepdims=True))
    return t / jnp.clip(n, 1e-12)


def setup_inputs(seed: int = 0):
    key = jax.random.key(seed)
    ks = jax.random.split(key, 6)
    dim = 128
    inner = HEADS * DIM_HEAD
    return {
        'query_source': jax.random.normal(ks[0], (1, dim, 8, 16, 16), dtype=jnp.float32),
        'context': jax.random.normal(ks[1], (1, dim, 16, 32, 32), dtype=jnp.float32),
        'cn_gamma': jnp.ones((1, dim, 1, 1, 1), jnp.float32),
        'cn_beta': jnp.zeros((1, dim, 1, 1, 1), jnp.float32),
        'qs_gamma': jnp.ones((1, dim, 1, 1, 1), jnp.float32),
        'qs_beta': jnp.zeros((1, dim, 1, 1, 1), jnp.float32),
        'W_kv': jax.random.normal(ks[2], (inner * 2, dim), dtype=jnp.float32) * 0.05,
        'W_q': jax.random.normal(ks[3], (inner, dim), dtype=jnp.float32) * 0.05,
        'W_out': jax.random.normal(ks[4], (dim, inner), dtype=jnp.float32) * 0.05,
        'on_gamma': jnp.ones((1, dim, 1, 1, 1), jnp.float32),
        'on_beta': jnp.zeros((1, dim, 1, 1, 1), jnp.float32),
        'gamma': jax.random.normal(ks[5], (1,), dtype=jnp.float32) * 0.1,
    }


def reference(query_source, context, cn_gamma, cn_beta, qs_gamma, qs_beta, W_kv, W_q, W_out, on_gamma, on_beta, gamma):
    b, c, Dq, Hq, Wq = query_source.shape
    ctx = _chan_norm(context, cn_gamma, cn_beta)
    qs = _chan_norm(query_source, qs_gamma, qs_beta)
    kv = jnp.einsum('oc,bcdhw->bodhw', W_kv, ctx)
    k, v = jnp.split(kv, 2, axis=1)
    q = jnp.einsum('oc,bcdhw->bodhw', W_q, qs)

    def fold(t):
        bb = t.shape[0]
        return t.reshape(bb, HEADS, DIM_HEAD, *t.shape[2:]).reshape(bb * HEADS, DIM_HEAD, *t.shape[2:])

    q = fold(q)
    k = fold(k)
    v = fold(v)
    q = _l2norm(q)
    k = _l2norm(k)

    q_probe = jnp.sum(q, axis=(2, 3, 4))
    k_abs = jnp.abs(k)

    k_depth = jnp.sum(k_abs, axis=(3, 4))
    score_d = jnp.einsum('bc,bcd->bd', q_probe, k_depth)
    _, idx_d = jax.lax.top_k(score_d, DEPTH_TOP_K)
    k = jnp.take_along_axis(k, idx_d[:, None, :, None, None], axis=2)
    v = jnp.take_along_axis(v, idx_d[:, None, :, None, None], axis=2)

    k_height = jnp.sum(k_abs, axis=(2, 4))
    score_h = jnp.einsum('bc,bch->bh', q_probe, k_height)
    _, idx_h = jax.lax.top_k(score_h, HEIGHT_TOP_K)
    k = jnp.take_along_axis(k, idx_h[:, None, None, :, None], axis=3)
    v = jnp.take_along_axis(v, idx_h[:, None, None, :, None], axis=3)

    k_width = jnp.sum(k_abs, axis=(2, 3))
    score_w = jnp.einsum('bc,bcw->bw', q_probe, k_width)
    _, idx_w = jax.lax.top_k(score_w, WIDTH_TOP_K)
    k = jnp.take_along_axis(k, idx_w[:, None, None, None, :], axis=4)
    v = jnp.take_along_axis(v, idx_w[:, None, None, None, :], axis=4)

    def flat(t):
        return t.reshape(t.shape[0], t.shape[1], -1).swapaxes(1, 2)

    q = flat(q)
    k = flat(k)
    v = flat(v)
    sim = jnp.einsum('bic,bjc->bij', q, k)
    attn = jax.nn.softmax(sim, axis=-1)
    out = jnp.einsum('bij,bjc->bic', attn, v)
    out = out.reshape(b, HEADS, Dq, Hq, Wq, DIM_HEAD)
    out = jnp.transpose(out, (0, 1, 5, 2, 3, 4)).reshape(b, HEADS * DIM_HEAD, Dq, Hq, Wq)
    out = jnp.einsum('oc,bcdhw->bodhw', W_out, out)
    out = _chan_norm(out, on_gamma, on_beta)
    return gamma * out + query_source

if __name__ == "__main__":
    import jax
    _d = setup_inputs()
    print(jax.jit(kernel)(*tuple(_d.values())))

</pallas_src>

<mosaic_0001>
#map = affine_map<(d0, d1) -> (0, 0)>
module attributes {stable_mosaic.version = 14 : i64} {
  func.func @kern(%arg0: i32, %arg1: i32, %arg2: memref<16384x128xf32, #tpu.memory_space<hbm>>, %arg3: memref<1x16384xi32, #tpu.memory_space<hbm>>, %arg4: memref<16384x128xf32, #tpu.memory_space<hbm>>) attributes {dimension_semantics = [#tpu.dimension_semantics<core_parallel>, #tpu.dimension_semantics<subcore_parallel>], iteration_bounds = array<i64: 2, 16>, scalar_prefetch = 0 : i64, scratch_operands = 0 : i64, tpu.core_type = #tpu.core_type<sc_vector_subcore>, window_params = [{transform_indices = #map}, {transform_indices = #map}, {transform_indices = #map}]} {
    %mul3A = arith.constant 8 : i32
    %mul3A_0 = arith.muli %arg1, %mul3A : i32
    "tpu.region"() ({
      %run_scoped3A = memref.alloca() : memref<2x1x128xi32, #tpu.memory_space<vmem>>
      %run_scoped3A_1 = tpu.sem_alloc : memref<2x!tpu.dma_semaphore, #tpu.memory_space<semaphore_mem>>
      %run_scoped3A_2 = memref.alloca() : memref<2x128x128xf32, #tpu.memory_space<vmem>>
      %run_scoped3A_3 = tpu.sem_alloc : memref<2x!tpu.dma_semaphore, #tpu.memory_space<semaphore_mem>>
      %add3A = arith.constant 0 : i32
      %add3A_4 = arith.addi %add3A, %mul3A_0 : i32
      %select_n3A = arith.constant true
      %select_n3A_5 = arith.constant 0 : i32
      %select_n3A_6 = arith.constant -1 : i32
      %select_n3A_7 = arith.select %select_n3A, %select_n3A_6, %select_n3A_5 : i32
      %eq3A = arith.constant -1 : i32
      %eq3A_8 = arith.cmpi eq, %select_n3A_7, %eq3A : i32
      %select_n3A_9 = arith.constant 7 : i32
      %select_n3A_10 = arith.select %eq3A_8, %select_n3A_9, %select_n3A_7 : i32
      %add3A_11 = arith.addi %select_n3A_10, %mul3A_0 : i32
      %select_n3A_12 = arith.constant true
      %select_n3A_13 = arith.constant 0 : i32
      %select_n3A_14 = arith.constant 1 : i32
      %select_n3A_15 = arith.select %select_n3A_12, %select_n3A_14, %select_n3A_13 : i32
      %eq3A_16 = arith.constant 8 : i32
      %eq3A_17 = arith.cmpi eq, %select_n3A_15, %eq3A_16 : i32
      %select_n3A_18 = arith.constant 0 : i32
      %select_n3A_19 = arith.select %eq3A_17, %select_n3A_18, %select_n3A_15 : i32
      %add3A_20 = arith.addi %select_n3A_19, %mul3A_0 : i32
      %add3A_21 = arith.constant 1 : i32
      %add3A_22 = arith.addi %select_n3A_19, %add3A_21 : i32
      %select_n3A_23 = arith.constant true
      %select_n3A_24 = arith.select %select_n3A_23, %add3A_22, %select_n3A_19 : i32
      %eq3A_25 = arith.constant 8 : i32
      %eq3A_26 = arith.cmpi eq, %select_n3A_24, %eq3A_25 : i32
      %select_n3A_27 = arith.constant 0 : i32
      %select_n3A_28 = arith.select %eq3A_26, %select_n3A_27, %select_n3A_24 : i32
      %add3A_29 = arith.addi %select_n3A_28, %mul3A_0 : i32
      "tpu.trace_start"() <{level = 10 : i32, message = "ep_initialize_0"}> : () -> ()
      %rem3A = arith.constant 0 : i32
      %rem3A_30 = arith.constant 2 : i32
      %rem3A_31 = arith.remui %rem3A, %rem3A_30 : i32
      %mul3A_32 = arith.constant 128 : i32
      %mul3A_33 = arith.muli %mul3A_32, %add3A_4 : i32
      %dma_start3A = arith.constant 0 : i32
      %dma_start3A_34 = arith.constant 0 : i32
      %dma_start3A_35 = tpu.memref_slice %run_scoped3A[%rem3A_31, %dma_start3A, %dma_start3A_34] : memref<2x1x128xi32, #tpu.memory_space<vmem>> -> memref<1x1x128xi32, #tpu.memory_space<vmem>>
      %dma_start3A_36 = tpu.memref_squeeze %dma_start3A_35 : memref<1x1x128xi32, #tpu.memory_space<vmem>> -> memref<1x128xi32, #tpu.memory_space<vmem>>
      %dma_start3A_37 = arith.constant 0 : i32
      %dma_start3A_38 = tpu.memref_slice %arg3[%dma_start3A_37, %mul3A_33] : memref<1x16384xi32, #tpu.memory_space<hbm>> -> memref<1x128xi32, #tpu.memory_space<hbm>>
      %dma_start3A_39 = tpu.memref_slice %run_scoped3A_1[%rem3A_31] : memref<2x!tpu.dma_semaphore, #tpu.memory_space<semaphore_mem>> -> memref<1x!tpu.dma_semaphore, #tpu.memory_space<semaphore_mem>>
      %dma_start3A_40 = tpu.memref_squeeze %dma_start3A_39 : memref<1x!tpu.dma_semaphore, #tpu.memory_space<semaphore_mem>> -> memref<!tpu.dma_semaphore, #tpu.memory_space<semaphore_mem>>
      %dma_start3A_41 = arith.constant 0 : i32
      %dma_start3A_42 = arith.constant 0 : i32
      %dma_start3A_43 = tpu.memref_slice %run_scoped3A[%rem3A_31, %dma_start3A_41, %dma_start3A_42] : memref<2x1x128xi32, #tpu.memory_space<vmem>> -> memref<1x1x128xi32, #tpu.memory_space<vmem>>
      %dma_start3A_44 = tpu.memref_squeeze %dma_start3A_43 : memref<1x1x128xi32, #tpu.memory_space<vmem>> -> memref<1x128xi32, #tpu.memory_space<vmem>>
      %dma_start3A_45 = arith.constant 0 : i32
      %dma_start3A_46 = tpu.memref_slice %arg3[%dma_start3A_45, %mul3A_33] : memref<1x16384xi32, #tpu.memory_space<hbm>> -> memref<1x128xi32, #tpu.memory_space<hbm>>
      tpu.enqueue_dma source(%dma_start3A_46 : memref<1x128xi32, #tpu.memory_space<hbm>>) target(%dma_start3A_44 : memref<1x128xi32, #tpu.memory_space<vmem>>) target_semaphore(%dma_start3A_40 : memref<!tpu.dma_semaphore, #tpu.memory_space<semaphore_mem>>)
      %add3A_47 = arith.constant 0 : i32
      %add3A_48 = arith.constant 1 : i32
      %add3A_49 = arith.addi %add3A_47, %add3A_48 : i32
      %select_n3A_50 = arith.constant true
      %select_n3A_51 = arith.constant 0 : i32
      %select_n3A_52 = arith.select %select_n3A_50, %add3A_49, %select_n3A_51 : i32
      "tpu.trace_stop"() : () -> ()
      %scan3A = arith.constant 0 : i32
      %scan3A_53 = arith.constant 0 : i32
      %scan3A_54 = arith.constant 0 : i32
      %scan3A_55 = arith.constant 0 : i32
      %scan3A_56 = arith.constant 0 : i32
      %scan3A_57 = arith.constant 8 : i32
      %scan3A_58 = arith.addi %scan3A_56, %scan3A_57 : i32
      %scan3A_59 = arith.constant 1 : i32
      %scan3A_60:5 = scf.for %scan3A_114 = %scan3A_56 to %scan3A_58 step %scan3A_59 iter_args(%scan3A_115 = %select_n3A_52, %scan3A_116 = %scan3A, %scan3A_117 = %scan3A_53, %scan3A_118 = %scan3A_54, %scan3A_119 = %scan3A_55) -> (i32, i32, i32, i32, i32)  : i32 {
        %eq3A_120 = arith.constant 0 : i32
        %eq3A_121 = arith.cmpi eq, %scan3A_114, %eq3A_120 : i32
        %eq3A_122 = arith.constant 7 : i32
        %eq3A_123 = arith.cmpi eq, %scan3A_114, %eq3A_122 : i32
        %add3A_124 = arith.addi %scan3A_119, %mul3A_0 : i32
        %sub3A_125 = arith.constant 1 : i32
        %sub3A_126 = arith.subi %scan3A_119, %sub3A_125 : i32
        %select_n3A_127 = arith.constant true
        %select_n3A_128 = arith.select %select_n3A_127, %sub3A_126, %scan3A_119 : i32
        %eq3A_129 = arith.constant -1 : i32
        %eq3A_130 = arith.cmpi eq, %select_n3A_128, %eq3A_129 : i32
        %select_n3A_131 = arith.constant 7 : i32
        %select_n3A_132 = arith.select %eq3A_130, %select_n3A_131, %select_n3A_128 : i32
        %add3A_133 = arith.addi %select_n3A_132, %mul3A_0 : i32
        %add3A_134 = arith.constant 1 : i32
        %add3A_135 = arith.addi %scan3A_119, %add3A_134 : i32
        %select_n3A_136 = arith.constant true
        %select_n3A_137 = arith.select %select_n3A_136, %add3A_135, %scan3A_119 : i32
        %eq3A_138 = arith.constant 8 : i32
        %eq3A_139 = arith.cmpi eq, %select_n3A_137, %eq3A_138 : i32
        %select_n3A_140 = arith.constant 0 : i32
        %select_n3A_141 = arith.select %eq3A_139, %select_n3A_140, %select_n3A_137 : i32
        %add3A_142 = arith.addi %select_n3A_141, %mul3A_0 : i32
        %add3A_143 = arith.constant 1 : i32
        %add3A_144 = arith.addi %select_n3A_141, %add3A_143 : i32
        %select_n3A_145 = arith.constant true
        %select_n3A_146 = arith.select %select_n3A_145, %add3A_144, %select_n3A_141 : i32
        %eq3A_147 = arith.constant 8 : i32
        %eq3A_148 = arith.cmpi eq, %select_n3A_146, %eq3A_147 : i32
        %select_n3A_149 = arith.constant 0 : i32
        %select_n3A_150 = arith.select %eq3A_148, %select_n3A_149, %select_n3A_146 : i32
        %add3A_151 = arith.addi %select_n3A_150, %mul3A_0 : i32
        %ne3A = arith.cmpi ne, %add3A_124, %add3A_142 : i32
        %or3A = arith.constant false
        %or3A_152 = arith.ori %or3A, %ne3A : i1
        %ge3A = arith.constant 7 : i32
        %ge3A_153 = arith.cmpi sge, %scan3A_114, %ge3A : i32
        %not3A = arith.constant true
        %not3A_154 = arith.xori %ge3A_153, %not3A : i1
        %and3A = arith.andi %or3A_152, %not3A_154 : i1
        %convert_element_type3A = arith.extui %and3A : i1 to i32
        %cond3A = arith.constant 0 : i32
        %cond3A_155 = arith.cmpi ne, %convert_element_type3A, %cond3A : i32
        scf.if %cond3A_155 {
          "tpu.trace_start"() <{level = 10 : i32, message = "ep_copy_in"}> : () -> ()
          %rem3A_257 = arith.constant 2 : i32
          %rem3A_258 = arith.remui %scan3A_115, %rem3A_257 : i32
          %mul3A_259 = arith.constant 128 : i32
          %mul3A_260 = arith.muli %mul3A_259, %add3A_142 : i32
          %dma_start3A_261 = arith.constant 0 : i32
          %dma_start3A_262 = arith.constant 0 : i32
          %dma_start3A_263 = tpu.memref_slice %run_scoped3A[%rem3A_258, %dma_start3A_261, %dma_start3A_262] : memref<2x1x128xi32, #tpu.memory_space<vmem>> -> memref<1x1x128xi32, #tpu.memory_space<vmem>>
          %dma_start3A_264 = tpu.memref_squeeze %dma_start3A_263 : memref<1x1x128xi32, #tpu.memory_space<vmem>> -> memref<1x128xi32, #tpu.memory_space<vmem>>
          %dma_start3A_265 = arith.constant 0 : i32
          %dma_start3A_266 = tpu.memref_slice %arg3[%dma_start3A_265, %mul3A_260] : memref<1x16384xi32, #tpu.memory_space<hbm>> -> memref<1x128xi32, #tpu.memory_space<hbm>>
          %dma_start3A_267 = tpu.memref_slice %run_scoped3A_1[%rem3A_258] : memref<2x!tpu.dma_semaphore, #tpu.memory_space<semaphore_mem>> -> memref<1x!tpu.dma_semaphore, #tpu.memory_space<semaphore_mem>>
          %dma_start3A_268 = tpu.memref_squeeze %dma_start3A_267 : memref<1x!tpu.dma_semaphore, #tpu.memory_space<semaphore_mem>> -> memref<!tpu.dma_semaphore, #tpu.memory_space<semaphore_mem>>
          %dma_start3A_269 = arith.constant 0 : i32
          %dma_start3A_270 = arith.constant 0 : i32
          %dma_start3A_271 = tpu.memref_slice %run_scoped3A[%rem3A_258, %dma_start3A_269, %dma_start3A_270] : memref<2x1x128xi32, #tpu.memory_space<vmem>> -> memref<1x1x128xi32, #tpu.memory_space<vmem>>
          %dma_start3A_272 = tpu.memref_squeeze %dma_start3A_271 : memref<1x1x128xi32, #tpu.memory_space<vmem>> -> memref<1x128xi32, #tpu.memory_space<vmem>>
          %dma_start3A_273 = arith.constant 0 : i32
          %dma_start3A_274 = tpu.memref_slice %arg3[%dma_start3A_273, %mul3A_260] : memref<1x16384xi32, #tpu.memory_space<hbm>> -> memref<1x128xi32, #tpu.memory_space<hbm>>
          tpu.enqueue_dma source(%dma_start3A_274 : memref<1x128xi32, #tpu.memory_space<hbm>>) target(%dma_start3A_272 : memref<1x128xi32, #tpu.memory_space<vmem>>) target_semaphore(%dma_start3A_268 : memref<!tpu.dma_semaphore, #tpu.memory_space<semaphore_mem>>)
          "tpu.trace_stop"() : () -> ()
        } else {
        }
        %and3A_156 = arith.constant true
        %and3A_157 = arith.andi %and3A, %and3A_156 : i1
        %add3A_158 = arith.constant 1 : i32
        %add3A_159 = arith.addi %scan3A_115, %add3A_158 : i32
        %select_n3A_160 = arith.select %and3A_157, %add3A_159, %scan3A_115 : i32
        %ne3A_161 = arith.cmpi ne, %add3A_124, %add3A_142 : i32
        %or3A_162 = arith.constant false
        %or3A_163 = arith.ori %or3A_162, %ne3A_161 : i1
        %or3A_164 = arith.constant false
        %or3A_165 = arith.ori %or3A_163, %or3A_164 : i1
        %ge3A_166 = arith.constant 7 : i32
        %ge3A_167 = arith.cmpi sge, %scan3A_114, %ge3A_166 : i32
        %not3A_168 = arith.constant true
        %not3A_169 = arith.xori %ge3A_167, %not3A_168 : i1
        %and3A_170 = arith.andi %or3A_165, %not3A_169 : i1
        %ne3A_171 = arith.cmpi ne, %add3A_124, %add3A_133 : i32
        %or3A_172 = arith.constant false
        %or3A_173 = arith.ori %or3A_172, %ne3A_171 : i1
        %or3A_174 = arith.ori %or3A_173, %eq3A_121 : i1
        %convert_element_type3A_175 = arith.extui %or3A_174 : i1 to i32
        %cond3A_176 = arith.constant 0 : i32
        %cond3A_177 = arith.cmpi ne, %convert_element_type3A_175, %cond3A_176 : i32
        scf.if %cond3A_177 {
          "tpu.trace_start"() <{level = 10 : i32, message = "ep_wait_in"}> : () -> ()
          %mul3A_257 = arith.constant 128 : i32
          %mul3A_258 = arith.muli %mul3A_257, %add3A_124 : i32
          %rem3A_259 = arith.constant 2 : i32
          %rem3A_260 = arith.remui %scan3A_116, %rem3A_259 : i32
          %dma_wait3A_261 = arith.constant 0 : i32
          %dma_wait3A_262 = arith.constant 0 : i32
          %dma_wait3A_263 = tpu.memref_slice %run_scoped3A[%rem3A_260, %dma_wait3A_261, %dma_wait3A_262] : memref<2x1x128xi32, #tpu.memory_space<vmem>> -> memref<1x1x128xi32, #tpu.memory_space<vmem>>
          %dma_wait3A_264 = tpu.memref_squeeze %dma_wait3A_263 : memref<1x1x128xi32, #tpu.memory_space<vmem>> -> memref<1x128xi32, #tpu.memory_space<vmem>>
          %dma_wait3A_265 = arith.constant 0 : i32
          %dma_wait3A_266 = tpu.memref_slice %arg3[%dma_wait3A_265, %mul3A_258] : memref<1x16384xi32, #tpu.memory_space<hbm>> -> memref<1x128xi32, #tpu.memory_space<hbm>>
          %dma_wait3A_267 = tpu.memref_slice %run_scoped3A_1[%rem3A_260] : memref<2x!tpu.dma_semaphore, #tpu.memory_space<semaphore_mem>> -> memref<1x!tpu.dma_semaphore, #tpu.memory_space<semaphore_mem>>
          %dma_wait3A_268 = tpu.memref_squeeze %dma_wait3A_267 : memref<1x!tpu.dma_semaphore, #tpu.memory_space<semaphore_mem>> -> memref<!tpu.dma_semaphore, #tpu.memory_space<semaphore_mem>>
          %dma_wait3A_269 = arith.constant 0 : i32
          %dma_wait3A_270 = arith.constant 0 : i32
          %dma_wait3A_271 = tpu.memref_slice %run_scoped3A[%rem3A_260, %dma_wait3A_269, %dma_wait3A_270] : memref<2x1x128xi32, #tpu.memory_space<vmem>> -> memref<1x1x128xi32, #tpu.memory_space<vmem>>
          %dma_wait3A_272 = tpu.memref_squeeze %dma_wait3A_271 : memref<1x1x128xi32, #tpu.memory_space<vmem>> -> memref<1x128xi32, #tpu.memory_space<vmem>>
          %dma_wait3A_273 = arith.constant 0 : i32
          %dma_wait3A_274 = tpu.memref_slice %arg3[%dma_wait3A_273, %mul3A_258] : memref<1x16384xi32, #tpu.memory_space<hbm>> -> memref<1x128xi32, #tpu.memory_space<hbm>>
          tpu.wait_dma2 semaphore(%dma_wait3A_268 : memref<!tpu.dma_semaphore, #tpu.memory_space<semaphore_mem>>) src(%dma_wait3A_274 : memref<1x128xi32, #tpu.memory_space<hbm>>) dst(%dma_wait3A_272 : memref<1x128xi32, #tpu.memory_space<vmem>>)
          "tpu.trace_stop"() : () -> ()
        } else {
        }
        %ne3A_178 = arith.cmpi ne, %add3A_124, %add3A_133 : i32
        %or3A_179 = arith.constant false
        %or3A_180 = arith.ori %or3A_179, %ne3A_178 : i1
        %or3A_181 = arith.constant false
        %or3A_182 = arith.ori %or3A_180, %or3A_181 : i1
        %or3A_183 = arith.ori %or3A_182, %eq3A_121 : i1
        %convert_element_type3A_184 = arith.extui %or3A_183 : i1 to i32
        %cond3A_185 = arith.constant 0 : i32
        %cond3A_186 = arith.cmpi ne, %convert_element_type3A_184, %cond3A_185 : i32
        scf.if %cond3A_186 {
        } else {
        }
        %rem3A_187 = arith.constant 2 : i32
        %rem3A_188 = arith.remui %scan3A_116, %rem3A_187 : i32
        %rem3A_189 = arith.constant 2 : i32
        %rem3A_190 = arith.remui %scan3A_117, %rem3A_189 : i32
        %run_scoped3A_191 = arith.constant 0 : i32
        "tpu.trace_start"() <{level = 10 : i32, message = "ep_run_kernel"}> : () -> ()
        "tpu.region"() ({
          %run_scoped3A_257 = tpu.sem_alloc : memref<!tpu.dma_semaphore, #tpu.memory_space<semaphore_mem>>
          %dma_start3A_258 = arith.constant 0 : i32
          %dma_start3A_259 = arith.constant 0 : i32
          %dma_start3A_260 = tpu.memref_slice %run_scoped3A_2[%rem3A_190, %dma_start3A_258, %dma_start3A_259] : memref<2x128x128xf32, #tpu.memory_space<vmem>> -> memref<1x128x128xf32, #tpu.memory_space<vmem>>
          %dma_start3A_261 = tpu.memref_squeeze %dma_start3A_260 : memref<1x128x128xf32, #tpu.memory_space<vmem>> -> memref<128x128xf32, #tpu.memory_space<vmem>>
          %dma_start3A_262 = arith.constant 0 : i32
          %dma_start3A_263 = arith.constant 0 : i32
          %dma_start3A_264 = tpu.memref_slice %run_scoped3A[%rem3A_188, %dma_start3A_262, %dma_start3A_263] : memref<2x1x128xi32, #tpu.memory_space<vmem>> -> memref<1x1x128xi32, #tpu.memory_space<vmem>>
          %dma_start3A_265 = tpu.memref_squeeze %dma_start3A_264 : memref<1x1x128xi32, #tpu.memory_space<vmem>> -> memref<1x128xi32, #tpu.memory_space<vmem>>
          %dma_start3A_266 = arith.constant 0 : i32
          %dma_start3A_267 = tpu.memref_slice %dma_start3A_265[%run_scoped3A_191, %dma_start3A_266] : memref<1x128xi32, #tpu.memory_space<vmem>> -> memref<1x128xi32, #tpu.memory_space<vmem>>
          %dma_start3A_268 = tpu.memref_squeeze %dma_start3A_267 : memref<1x128xi32, #tpu.memory_space<vmem>> -> memref<128xi32, #tpu.memory_space<vmem>>
          %dma_start3A_269 = arith.constant 0 : i32
          %dma_start3A_270 = arith.constant 0 : i32
          %dma_start3A_271 = tpu.memref_slice %arg2[%dma_start3A_269, %dma_start3A_270] : memref<16384x128xf32, #tpu.memory_space<hbm>> -> memref<16384x128xf32, #tpu.memory_space<hbm>>
          tpu.enqueue_indirect_dma source(%dma_start3A_271 : memref<16384x128xf32, #tpu.memory_space<hbm>>) target(%dma_start3A_261 : memref<128x128xf32, #tpu.memory_space<vmem>>) offsets(%dma_start3A_268 : memref<128xi32, #tpu.memory_space<vmem>>) semaphore(%run_scoped3A_257 : memref<!tpu.dma_semaphore, #tpu.memory_space<semaphore_mem>>)
          %dma_wait3A_272 = arith.constant 0 : i32
          %dma_wait3A_273 = arith.constant 0 : i32
          %dma_wait3A_274 = tpu.memref_slice %run_scoped3A_2[%rem3A_190, %dma_wait3A_272, %dma_wait3A_273] : memref<2x128x128xf32, #tpu.memory_space<vmem>> -> memref<1x128x128xf32, #tpu.memory_space<vmem>>
          %dma_wait3A_275 = tpu.memref_squeeze %dma_wait3A_274 : memref<1x128x128xf32, #tpu.memory_space<vmem>> -> memref<128x128xf32, #tpu.memory_space<vmem>>
          %dma_wait3A_276 = arith.constant 0 : i32
          %dma_wait3A_277 = arith.constant 0 : i32
          %dma_wait3A_278 = tpu.memref_slice %run_scoped3A[%rem3A_188, %dma_wait3A_276, %dma_wait3A_277] : memref<2x1x128xi32, #tpu.memory_space<vmem>> -> memref<1x1x128xi32, #tpu.memory_space<vmem>>
          %dma_wait3A_279 = tpu.memref_squeeze %dma_wait3A_278 : memref<1x1x128xi32, #tpu.memory_space<vmem>> -> memref<1x128xi32, #tpu.memory_space<vmem>>
          %dma_wait3A_280 = arith.constant 0 : i32
          %dma_wait3A_281 = tpu.memref_slice %dma_wait3A_279[%run_scoped3A_191, %dma_wait3A_280] : memref<1x128xi32, #tpu.memory_space<vmem>> -> memref<1x128xi32, #tpu.memory_space<vmem>>
          %dma_wait3A_282 = tpu.memref_squeeze %dma_wait3A_281 : memref<1x128xi32, #tpu.memory_space<vmem>> -> memref<128xi32, #tpu.memory_space<vmem>>
          %dma_wait3A_283 = arith.constant 0 : i32
          %dma_wait3A_284 = arith.constant 0 : i32
          %dma_wait3A_285 = tpu.memref_slice %arg2[%dma_wait3A_283, %dma_wait3A_284] : memref<16384x128xf32, #tpu.memory_space<hbm>> -> memref<16384x128xf32, #tpu.memory_space<hbm>>
          tpu.wait_indirect_dma semaphore(%run_scoped3A_257 : memref<!tpu.dma_semaphore, #tpu.memory_space<semaphore_mem>>) src(%dma_wait3A_285 : memref<16384x128xf32, #tpu.memory_space<hbm>>) dst(%dma_wait3A_275 : memref<128x128xf32, #tpu.memory_space<vmem>>)
          tpu.yield
        }) : () -> ()
        "tpu.trace_stop"() : () -> ()
        %ne3A_192 = arith.cmpi ne, %add3A_124, %add3A_142 : i32
        %or3A_193 = arith.constant false
        %or3A_194 = arith.ori %or3A_193, %ne3A_192 : i1
        %or3A_195 = arith.ori %or3A_194, %eq3A_123 : i1
        %convert_element_type3A_196 = arith.extui %or3A_195 : i1 to i32
        %cond3A_197 = arith.constant 0 : i32
        %cond3A_198 = arith.cmpi ne, %convert_element_type3A_196, %cond3A_197 : i32
        scf.if %cond3A_198 {
        } else {
        }
        %and3A_199 = arith.constant false
        %and3A_200 = arith.andi %or3A_195, %and3A_199 : i1
        %ne3A_201 = arith.cmpi ne, %add3A_124, %add3A_142 : i32
        %or3A_202 = arith.constant false
        %or3A_203 = arith.ori %or3A_202, %ne3A_201 : i1
        %or3A_204 = arith.constant false
        %or3A_205 = arith.ori %or3A_203, %or3A_204 : i1
        %or3A_206 = arith.ori %or3A_205, %eq3A_123 : i1
        %convert_element_type3A_207 = arith.extui %or3A_206 : i1 to i32
        %cond3A_208 = arith.constant 0 : i32
        %cond3A_209 = arith.cmpi ne, %convert_element_type3A_207, %cond3A_208 : i32
        scf.if %cond3A_209 {
          "tpu.trace_start"() <{level = 10 : i32, message = "ep_copy_out"}> : () -> ()
          %rem3A_257 = arith.constant 2 : i32
          %rem3A_258 = arith.remui %scan3A_117, %rem3A_257 : i32
          %mul3A_259 = arith.constant 128 : i32
          %mul3A_260 = arith.muli %mul3A_259, %add3A_124 : i32
          %dma_start3A_261 = arith.constant 0 : i32
          %dma_start3A_262 = arith.constant 0 : i32
          %dma_start3A_263 = tpu.memref_slice %run_scoped3A_2[%rem3A_258, %dma_start3A_261, %dma_start3A_262] : memref<2x128x128xf32, #tpu.memory_space<vmem>> -> memref<1x128x128xf32, #tpu.memory_space<vmem>>
          %dma_start3A_264 = tpu.memref_squeeze %dma_start3A_263 : memref<1x128x128xf32, #tpu.memory_space<vmem>> -> memref<128x128xf32, #tpu.memory_space<vmem>>
          %dma_start3A_265 = arith.constant 0 : i32
          %dma_start3A_266 = tpu.memref_slice %arg4[%mul3A_260, %dma_start3A_265] : memref<16384x128xf32, #tpu.memory_space<hbm>> -> memref<128x128xf32, #tpu.memory_space<hbm>>
          %dma_start3A_267 = tpu.memref_slice %run_scoped3A_3[%rem3A_258] : memref<2x!tpu.dma_semaphore, #tpu.memory_space<semaphore_mem>> -> memref<1x!tpu.dma_semaphore, #tpu.memory_space<semaphore_mem>>
          %dma_start3A_268 = tpu.memref_squeeze %dma_start3A_267 : memref<1x!tpu.dma_semaphore, #tpu.memory_space<semaphore_mem>> -> memref<!tpu.dma_semaphore, #tpu.memory_space<semaphore_mem>>
          %dma_start3A_269 = arith.constant 0 : i32
          %dma_start3A_270 = tpu.memref_slice %arg4[%mul3A_260, %dma_start3A_269] : memref<16384x128xf32, #tpu.memory_space<hbm>> -> memref<128x128xf32, #tpu.memory_space<hbm>>
          %dma_start3A_271 = arith.constant 0 : i32
          %dma_start3A_272 = arith.constant 0 : i32
          %dma_start3A_273 = tpu.memref_slice %run_scoped3A_2[%rem3A_258, %dma_start3A_271, %dma_start3A_272] : memref<2x128x128xf32, #tpu.memory_space<vmem>> -> memref<1x128x128xf32, #tpu.memory_space<vmem>>
          %dma_start3A_274 = tpu.memref_squeeze %dma_start3A_273 : memref<1x128x128xf32, #tpu.memory_space<vmem>> -> memref<128x128xf32, #tpu.memory_space<vmem>>
          tpu.enqueue_dma source(%dma_start3A_274 : memref<128x128xf32, #tpu.memory_space<vmem>>) target(%dma_start3A_270 : memref<128x128xf32, #tpu.memory_space<hbm>>) target_semaphore(%dma_start3A_268 : memref<!tpu.dma_semaphore, #tpu.memory_space<semaphore_mem>>)
          "tpu.trace_stop"() : () -> ()
        } else {
        }
        %and3A_210 = arith.constant true
        %and3A_211 = arith.andi %or3A_206, %and3A_210 : i1
        %add3A_212 = arith.constant 1 : i32
        %add3A_213 = arith.addi %scan3A_117, %add3A_212 : i32
        %select_n3A_214 = arith.select %and3A_211, %add3A_213, %scan3A_117 : i32
        %ne3A_215 = arith.cmpi ne, %add3A_124, %add3A_133 : i32
        %or3A_216 = arith.constant false
        %or3A_217 = arith.ori %or3A_216, %ne3A_215 : i1
        %not3A_218 = arith.constant true
        %not3A_219 = arith.xori %eq3A_121, %not3A_218 : i1
        %and3A_220 = arith.andi %or3A_217, %not3A_219 : i1
        %convert_element_type3A_221 = arith.extui %and3A_220 : i1 to i32
        %cond3A_222 = arith.constant 0 : i32
        %cond3A_223 = arith.cmpi ne, %convert_element_type3A_221, %cond3A_222 : i32
        scf.if %cond3A_223 {
        } else {
        }
        %and3A_224 = arith.constant false
        %and3A_225 = arith.andi %and3A_220, %and3A_224 : i1
        %ne3A_226 = arith.cmpi ne, %add3A_124, %add3A_133 : i32
        %or3A_227 = arith.constant false
        %or3A_228 = arith.ori %or3A_227, %ne3A_226 : i1
        %or3A_229 = arith.constant false
        %or3A_230 = arith.ori %or3A_228, %or3A_229 : i1
        %not3A_231 = arith.constant true
        %not3A_232 = arith.xori %eq3A_121, %not3A_231 : i1
        %and3A_233 = arith.andi %or3A_230, %not3A_232 : i1
        %convert_element_type3A_234 = arith.extui %and3A_233 : i1 to i32
        %cond3A_235 = arith.constant 0 : i32
        %cond3A_236 = arith.cmpi ne, %convert_element_type3A_234, %cond3A_235 : i32
        scf.if %cond3A_236 {
          "tpu.trace_start"() <{level = 10 : i32, message = "ep_wait_out"}> : () -> ()
          %rem3A_257 = arith.constant 2 : i32
          %rem3A_258 = arith.remui %scan3A_118, %rem3A_257 : i32
          %mul3A_259 = arith.constant 128 : i32
          %mul3A_260 = arith.muli %mul3A_259, %add3A_133 : i32
          %dma_wait3A_261 = arith.constant 0 : i32
          %dma_wait3A_262 = arith.constant 0 : i32
          %dma_wait3A_263 = tpu.memref_slice %run_scoped3A_2[%rem3A_258, %dma_wait3A_261, %dma_wait3A_262] : memref<2x128x128xf32, #tpu.memory_space<vmem>> -> memref<1x128x128xf32, #tpu.memory_space<vmem>>
          %dma_wait3A_264 = tpu.memref_squeeze %dma_wait3A_263 : memref<1x128x128xf32, #tpu.memory_space<vmem>> -> memref<128x128xf32, #tpu.memory_space<vmem>>
          %dma_wait3A_265 = arith.constant 0 : i32
          %dma_wait3A_266 = tpu.memref_slice %arg4[%mul3A_260, %dma_wait3A_265] : memref<16384x128xf32, #tpu.memory_space<hbm>> -> memref<128x128xf32, #tpu.memory_space<hbm>>
          %dma_wait3A_267 = tpu.memref_slice %run_scoped3A_3[%rem3A_258] : memref<2x!tpu.dma_semaphore, #tpu.memory_space<semaphore_mem>> -> memref<1x!tpu.dma_semaphore, #tpu.memory_space<semaphore_mem>>
          %dma_wait3A_268 = tpu.memref_squeeze %dma_wait3A_267 : memref<1x!tpu.dma_semaphore, #tpu.memory_space<semaphore_mem>> -> memref<!tpu.dma_semaphore, #tpu.memory_space<semaphore_mem>>
          %dma_wait3A_269 = arith.constant 0 : i32
          %dma_wait3A_270 = tpu.memref_slice %arg4[%mul3A_260, %dma_wait3A_269] : memref<16384x128xf32, #tpu.memory_space<hbm>> -> memref<128x128xf32, #tpu.memory_space<hbm>>
          %dma_wait3A_271 = arith.constant 0 : i32
          %dma_wait3A_272 = arith.constant 0 : i32
          %dma_wait3A_273 = tpu.memref_slice %run_scoped3A_2[%rem3A_258, %dma_wait3A_271, %dma_wait3A_272] : memref<2x128x128xf32, #tpu.memory_space<vmem>> -> memref<1x128x128xf32, #tpu.memory_space<vmem>>
          %dma_wait3A_274 = tpu.memref_squeeze %dma_wait3A_273 : memref<1x128x128xf32, #tpu.memory_space<vmem>> -> memref<128x128xf32, #tpu.memory_space<vmem>>
          tpu.wait_dma2 semaphore(%dma_wait3A_268 : memref<!tpu.dma_semaphore, #tpu.memory_space<semaphore_mem>>) src(%dma_wait3A_274 : memref<128x128xf32, #tpu.memory_space<vmem>>) dst(%dma_wait3A_270 : memref<128x128xf32, #tpu.memory_space<hbm>>)
          "tpu.trace_stop"() : () -> ()
        } else {
        }
        %and3A_237 = arith.constant true
        %and3A_238 = arith.andi %and3A_233, %and3A_237 : i1
        %add3A_239 = arith.constant 1 : i32
        %add3A_240 = arith.addi %scan3A_118, %add3A_239 : i32
        %select_n3A_241 = arith.select %and3A_238, %add3A_240, %scan3A_118 : i32
        %ne3A_242 = arith.cmpi ne, %add3A_124, %add3A_142 : i32
        %or3A_243 = arith.constant false
        %or3A_244 = arith.ori %or3A_243, %ne3A_242 : i1
        %or3A_245 = arith.ori %or3A_244, %eq3A_123 : i1
        %add3A_246 = arith.constant 1 : i32
        %add3A_247 = arith.addi %scan3A_116, %add3A_246 : i32
        %select_n3A_248 = arith.select %or3A_245, %add3A_247, %scan3A_116 : i32
        %add3A_249 = arith.constant 1 : i32
        %add3A_250 = arith.addi %scan3A_119, %add3A_249 : i32
        %select_n3A_251 = arith.constant true
        %select_n3A_252 = arith.select %select_n3A_251, %add3A_250, %scan3A_119 : i32
        %eq3A_253 = arith.constant 8 : i32
        %eq3A_254 = arith.cmpi eq, %select_n3A_252, %eq3A_253 : i32
        %select_n3A_255 = arith.constant 0 : i32
        %select_n3A_256 = arith.select %eq3A_254, %select_n3A_255, %select_n3A_252 : i32
        scf.yield %select_n3A_160, %select_n3A_248, %select_n3A_214, %select_n3A_241, %select_n3A_256 : i32, i32, i32, i32, i32
      }
      %scan3A_61 = arith.constant 8 : i32
      %sub3A = arith.constant 1 : i32
      %sub3A_62 = arith.subi %scan3A_60#4, %sub3A : i32
      %select_n3A_63 = arith.constant true
      %select_n3A_64 = arith.select %select_n3A_63, %sub3A_62, %scan3A_60#4 : i32
      %eq3A_65 = arith.constant -1 : i32
      %eq3A_66 = arith.cmpi eq, %select_n3A_64, %eq3A_65 : i32
      %select_n3A_67 = arith.constant 7 : i32
      %select_n3A_68 = arith.select %eq3A_66, %select_n3A_67, %select_n3A_64 : i32
      %add3A_69 = arith.addi %select_n3A_68, %mul3A_0 : i32
      %sub3A_70 = arith.constant 1 : i32
      %sub3A_71 = arith.subi %select_n3A_68, %sub3A_70 : i32
      %select_n3A_72 = arith.constant true
      %select_n3A_73 = arith.select %select_n3A_72, %sub3A_71, %select_n3A_68 : i32
      %eq3A_74 = arith.constant -1 : i32
      %eq3A_75 = arith.cmpi eq, %select_n3A_73, %eq3A_74 : i32
      %select_n3A_76 = arith.constant 7 : i32
      %select_n3A_77 = arith.select %eq3A_75, %select_n3A_76, %select_n3A_73 : i32
      %add3A_78 = arith.addi %select_n3A_77, %mul3A_0 : i32
      %add3A_79 = arith.constant 1 : i32
      %add3A_80 = arith.addi %select_n3A_68, %add3A_79 : i32
      %select_n3A_81 = arith.constant true
      %select_n3A_82 = arith.select %select_n3A_81, %add3A_80, %select_n3A_68 : i32
      %eq3A_83 = arith.constant 8 : i32
      %eq3A_84 = arith.cmpi eq, %select_n3A_82, %eq3A_83 : i32
      %select_n3A_85 = arith.constant 0 : i32
      %select_n3A_86 = arith.select %eq3A_84, %select_n3A_85, %select_n3A_82 : i32
      %add3A_87 = arith.addi %select_n3A_86, %mul3A_0 : i32
      %add3A_88 = arith.constant 1 : i32
      %add3A_89 = arith.addi %select_n3A_86, %add3A_88 : i32
      %select_n3A_90 = arith.constant true
      %select_n3A_91 = arith.select %select_n3A_90, %add3A_89, %select_n3A_86 : i32
      %eq3A_92 = arith.constant 8 : i32
      %eq3A_93 = arith.cmpi eq, %select_n3A_91, %eq3A_92 : i32
      %select_n3A_94 = arith.constant 0 : i32
      %select_n3A_95 = arith.select %eq3A_93, %select_n3A_94, %select_n3A_91 : i32
      %add3A_96 = arith.addi %select_n3A_95, %mul3A_0 : i32
      "tpu.trace_start"() <{level = 10 : i32, message = "ep_finalize"}> : () -> ()
      %rem3A_97 = arith.constant 2 : i32
      %rem3A_98 = arith.remui %scan3A_60#3, %rem3A_97 : i32
      %mul3A_99 = arith.constant 128 : i32
      %mul3A_100 = arith.muli %mul3A_99, %add3A_69 : i32
      %dma_wait3A = arith.constant 0 : i32
      %dma_wait3A_101 = arith.constant 0 : i32
      %dma_wait3A_102 = tpu.memref_slice %run_scoped3A_2[%rem3A_98, %dma_wait3A, %dma_wait3A_101] : memref<2x128x128xf32, #tpu.memory_space<vmem>> -> memref<1x128x128xf32, #tpu.memory_space<vmem>>
      %dma_wait3A_103 = tpu.memref_squeeze %dma_wait3A_102 : memref<1x128x128xf32, #tpu.memory_space<vmem>> -> memref<128x128xf32, #tpu.memory_space<vmem>>
      %dma_wait3A_104 = arith.constant 0 : i32
      %dma_wait3A_105 = tpu.memref_slice %arg4[%mul3A_100, %dma_wait3A_104] : memref<16384x128xf32, #tpu.memory_space<hbm>> -> memref<128x128xf32, #tpu.memory_space<hbm>>
      %dma_wait3A_106 = tpu.memref_slice %run_scoped3A_3[%rem3A_98] : memref<2x!tpu.dma_semaphore, #tpu.memory_space<semaphore_mem>> -> memref<1x!tpu.dma_semaphore, #tpu.memory_space<semaphore_mem>>
      %dma_wait3A_107 = tpu.memref_squeeze %dma_wait3A_106 : memref<1x!tpu.dma_semaphore, #tpu.memory_space<semaphore_mem>> -> memref<!tpu.dma_semaphore, #tpu.memory_space<semaphore_mem>>
      %dma_wait3A_108 = arith.constant 0 : i32
      %dma_wait3A_109 = tpu.memref_slice %arg4[%mul3A_100, %dma_wait3A_108] : memref<16384x128xf32, #tpu.memory_space<hbm>> -> memref<128x128xf32, #tpu.memory_space<hbm>>
      %dma_wait3A_110 = arith.constant 0 : i32
      %dma_wait3A_111 = arith.constant 0 : i32
      %dma_wait3A_112 = tpu.memref_slice %run_scoped3A_2[%rem3A_98, %dma_wait3A_110, %dma_wait3A_111] : memref<2x128x128xf32, #tpu.memory_space<vmem>> -> memref<1x128x128xf32, #tpu.memory_space<vmem>>
      %dma_wait3A_113 = tpu.memref_squeeze %dma_wait3A_112 : memref<1x128x128xf32, #tpu.memory_space<vmem>> -> memref<128x128xf32, #tpu.memory_space<vmem>>
      tpu.wait_dma2 semaphore(%dma_wait3A_107 : memref<!tpu.dma_semaphore, #tpu.memory_space<semaphore_mem>>) src(%dma_wait3A_113 : memref<128x128xf32, #tpu.memory_space<vmem>>) dst(%dma_wait3A_109 : memref<128x128xf32, #tpu.memory_space<hbm>>)
      "tpu.trace_stop"() : () -> ()
      tpu.yield
    }) : () -> ()
    return
  }
}

module attributes {stable_mosaic.version = 14 : i64} {
  func.func @_q_body(%arg0: memref<2048x128xf32, #tpu.memory_space<vmem>>, %arg1: memref<1x128xf32, #tpu.memory_space<vmem>>, %arg2: memref<1x128xf32, #tpu.memory_space<vmem>>, %arg3: memref<512x128xf32, #tpu.memory_space<vmem>>, %arg4: memref<8x2048x64xbf16, #tpu.memory_space<vmem>>, %arg5: memref<1x512xf32, #tpu.memory_space<vmem>>) attributes {dimension_semantics = [], scalar_prefetch = 0 : i64, scratch_operands = 0 : i64, tpu.core_type = #tpu.core_type<tc>} {
    %get3A = arith.constant 0 : index
    %get3A_0 = arith.constant 0 : index
    %get3A_1 = vector.load %arg0[%get3A, %get3A_0] : memref<2048x128xf32, #tpu.memory_space<vmem>>, vector<2048x128xf32>
    %get3A_2 = arith.constant 0 : index
    %get3A_3 = arith.constant 0 : index
    %get3A_4 = vector.load %arg1[%get3A_2, %get3A_3] : memref<1x128xf32, #tpu.memory_space<vmem>>, vector<1x128xf32>
    %get3A_5 = arith.constant 0 : index
    %get3A_6 = arith.constant 0 : index
    %get3A_7 = vector.load %arg2[%get3A_5, %get3A_6] : memref<1x128xf32, #tpu.memory_space<vmem>>, vector<1x128xf32>
    %reduce_sum3A = arith.constant dense<0.000000e+00> : vector<2048xf32>
    %reduce_sum3A_8 = vector.multi_reduction <add>, %get3A_1, %reduce_sum3A [1] : vector<2048x128xf32> to vector<2048xf32>
    %broadcast_in_dim3A = vector.shape_cast %reduce_sum3A_8 : vector<2048xf32> to vector<2048x1xf32>
    %div3A = arith.constant 1.280000e+02 : f32
    %div3A_9 = vector.broadcast %div3A : f32 to vector<2048x1xf32>
    %div3A_10 = arith.divf %broadcast_in_dim3A, %div3A_9 : vector<2048x1xf32>
    %sub3A = vector.broadcast %div3A_10 : vector<2048x1xf32> to vector<2048x128xf32>
    %sub3A_11 = arith.subf %get3A_1, %sub3A : vector<2048x128xf32>
    %integer_pow3A = arith.mulf %sub3A_11, %sub3A_11 : vector<2048x128xf32>
    %reduce_sum3A_12 = arith.constant dense<0.000000e+00> : vector<2048xf32>
    %reduce_sum3A_13 = vector.multi_reduction <add>, %integer_pow3A, %reduce_sum3A_12 [1] : vector<2048x128xf32> to vector<2048xf32>
    %broadcast_in_dim3A_14 = vector.shape_cast %reduce_sum3A_13 : vector<2048xf32> to vector<2048x1xf32>
    %div3A_15 = arith.constant 1.280000e+02 : f32
    %div3A_16 = vector.broadcast %div3A_15 : f32 to vector<2048x1xf32>
    %div3A_17 = arith.divf %broadcast_in_dim3A_14, %div3A_16 : vector<2048x1xf32>
    %sub3A_18 = vector.broadcast %div3A_10 : vector<2048x1xf32> to vector<2048x128xf32>
    %sub3A_19 = arith.subf %get3A_1, %sub3A_18 : vector<2048x128xf32>
    %mul3A = vector.broadcast %get3A_4 : vector<1x128xf32> to vector<2048x128xf32>
    %mul3A_20 = arith.mulf %mul3A, %sub3A_19 : vector<2048x128xf32>
    %sqrt3A = math.sqrt %div3A_17 : vector<2048x1xf32>
    %add3A = arith.constant 9.99999997E-7 : f32
    %add3A_21 = vector.broadcast %add3A : f32 to vector<2048x1xf32>
    %add3A_22 = arith.addf %sqrt3A, %add3A_21 : vector<2048x1xf32>
    %div3A_23 = vector.broadcast %add3A_22 : vector<2048x1xf32> to vector<2048x128xf32>
    %div3A_24 = arith.divf %mul3A_20, %div3A_23 : vector<2048x128xf32>
    %add3A_25 = vector.broadcast %get3A_7 : vector<1x128xf32> to vector<2048x128xf32>
    %add3A_26 = arith.addf %div3A_24, %add3A_25 : vector<2048x128xf32>
    %get3A_27 = arith.constant 0 : index
    %get3A_28 = arith.constant 0 : index
    %get3A_29 = vector.load %arg3[%get3A_27, %get3A_28] : memref<512x128xf32, #tpu.memory_space<vmem>>, vector<512x128xf32>
    %dot_general3A = arith.constant dense<0.000000e+00> : vector<2048x512xf32>
    %dot_general3A_30 = tpu.matmul %add3A_26, %get3A_29, %dot_general3A {dimension_numbers = #tpu.dot_dimension_numbers<[1], [1], [0], [0], [0, 0, 1, 0], [], []>, transpose_lhs_hint = false} : vector<2048x128xf32>, vector<512x128xf32>, vector<2048x512xf32> -> vector<2048x512xf32>
    %mul3A_31 = arith.mulf %dot_general3A_30, %dot_general3A_30 : vector<2048x512xf32>
    %iota3A = tpu.iota {dimensions = array<i32: 0>} : vector<512x8xi32>
    %iota3A_32 = tpu.iota {dimensions = array<i32: 1>} : vector<512x8xi32>
    %jit3A = arith.constant 64 : i32
    %div3A_33 = vector.broadcast %jit3A : i32 to vector<512x8xi32>
    %div3A_34 = arith.divsi %iota3A, %div3A_33 : vector<512x8xi32>
    %sign3A = arith.constant 0 : i32
    %sign3A_35 = vector.broadcast %sign3A : i32 to vector<512x8xi32>
    %sign3A_36 = arith.cmpi sgt, %iota3A, %sign3A_35 : vector<512x8xi32>
    %sign3A_37 = arith.extui %sign3A_36 : vector<512x8xi1> to vector<512x8xi32>
    %sign3A_38 = arith.constant 0 : i32
    %sign3A_39 = vector.broadcast %sign3A_38 : i32 to vector<512x8xi32>
    %sign3A_40 = arith.cmpi slt, %iota3A, %sign3A_39 : vector<512x8xi32>
    %sign3A_41 = arith.extui %sign3A_40 : vector<512x8xi1> to vector<512x8xi32>
    %sign3A_42 = arith.subi %sign3A_37, %sign3A_41 : vector<512x8xi32>
    %sign3A_43 = arith.constant 0 : i32
    %sign3A_44 = arith.cmpi sgt, %jit3A, %sign3A_43 : i32
    %sign3A_45 = arith.extui %sign3A_44 : i1 to i32
    %sign3A_46 = arith.constant 0 : i32
    %sign3A_47 = arith.cmpi slt, %jit3A, %sign3A_46 : i32
    %sign3A_48 = arith.extui %sign3A_47 : i1 to i32
    %sign3A_49 = arith.subi %sign3A_45, %sign3A_48 : i32
    %ne3A = vector.broadcast %sign3A_49 : i32 to vector<512x8xi32>
    %ne3A_50 = arith.cmpi ne, %sign3A_42, %ne3A : vector<512x8xi32>
    %rem3A = vector.broadcast %jit3A : i32 to vector<512x8xi32>
    %rem3A_51 = arith.remsi %iota3A, %rem3A : vector<512x8xi32>
    %ne3A_52 = arith.constant 0 : i32
    %ne3A_53 = vector.broadcast %ne3A_52 : i32 to vector<512x8xi32>
    %ne3A_54 = arith.cmpi ne, %rem3A_51, %ne3A_53 : vector<512x8xi32>
    %and3A = arith.andi %ne3A_50, %ne3A_54 : vector<512x8xi1>
    %sub3A_55 = arith.constant 1 : i32
    %sub3A_56 = vector.broadcast %sub3A_55 : i32 to vector<512x8xi32>
    %sub3A_57 = arith.subi %div3A_34, %sub3A_56 : vector<512x8xi32>
    %select_n3A = arith.select %and3A, %sub3A_57, %div3A_34 : vector<512x8xi1>, vector<512x8xi32>
    %eq3A = arith.cmpi eq, %select_n3A, %iota3A_32 : vector<512x8xi32>
    %convert_element_type3A = arith.extui %eq3A : vector<512x8xi1> to vector<512x8xi32>
    %convert_element_type3A_58 = arith.sitofp %convert_element_type3A : vector<512x8xi32> to vector<512x8xf32>
    %dot_general3A_59 = arith.constant dense<0.000000e+00> : vector<2048x8xf32>
    %dot_general3A_60 = tpu.matmul %mul3A_31, %convert_element_type3A_58, %dot_general3A_59 {dimension_numbers = #tpu.dot_dimension_numbers<[1], [0], [0], [1], [0, 0, 1, 1], [], []>, precision = #tpu.contract_precision<fp32>, transpose_lhs_hint = false} : vector<2048x512xf32>, vector<512x8xf32>, vector<2048x8xf32> -> vector<2048x8xf32>
    %sqrt3A_61 = math.sqrt %dot_general3A_60 : vector<2048x8xf32>
    %max3A = arith.constant 9.99999996E-13 : f32
    %max3A_62 = vector.broadcast %max3A : f32 to vector<2048x8xf32>
    %max3A_63 = arith.maximumf %sqrt3A_61, %max3A_62 : vector<2048x8xf32>
    %slice3A = vector.extract_strided_slice %dot_general3A_30 {offsets = [0, 0], sizes = [2048, 64], strides = [1, 1]} : vector<2048x512xf32> to vector<2048x64xf32>
    %slice3A_64 = vector.extract_strided_slice %max3A_63 {offsets = [0, 0], sizes = [2048, 1], strides = [1, 1]} : vector<2048x8xf32> to vector<2048x1xf32>
    %div3A_65 = vector.broadcast %slice3A_64 : vector<2048x1xf32> to vector<2048x64xf32>
    %div3A_66 = arith.divf %slice3A, %div3A_65 : vector<2048x64xf32>
    %slice3A_67 = vector.extract_strided_slice %dot_general3A_30 {offsets = [0, 64], sizes = [2048, 64], strides = [1, 1]} : vector<2048x512xf32> to vector<2048x64xf32>
    %slice3A_68 = vector.extract_strided_slice %max3A_63 {offsets = [0, 1], sizes = [2048, 1], strides = [1, 1]} : vector<2048x8xf32> to vector<2048x1xf32>
    %div3A_69 = vector.broadcast %slice3A_68 : vector<2048x1xf32> to vector<2048x64xf32>
    %div3A_70 = arith.divf %slice3A_67, %div3A_69 : vector<2048x64xf32>
    %slice3A_71 = vector.extract_strided_slice %dot_general3A_30 {offsets = [0, 128], sizes = [2048, 64], strides = [1, 1]} : vector<2048x512xf32> to vector<2048x64xf32>
    %slice3A_72 = vector.extract_strided_slice %max3A_63 {offsets = [0, 2], sizes = [2048, 1], strides = [1, 1]} : vector<2048x8xf32> to vector<2048x1xf32>
    %div3A_73 = vector.broadcast %slice3A_72 : vector<2048x1xf32> to vector<2048x64xf32>
    %div3A_74 = arith.divf %slice3A_71, %div3A_73 : vector<2048x64xf32>
    %slice3A_75 = vector.extract_strided_slice %dot_general3A_30 {offsets = [0, 192], sizes = [2048, 64], strides = [1, 1]} : vector<2048x512xf32> to vector<2048x64xf32>
    %slice3A_76 = vector.extract_strided_slice %max3A_63 {offsets = [0, 3], sizes = [2048, 1], strides = [1, 1]} : vector<2048x8xf32> to vector<2048x1xf32>
    %div3A_77 = vector.broadcast %slice3A_76 : vector<2048x1xf32> to vector<2048x64xf32>
    %div3A_78 = arith.divf %slice3A_75, %div3A_77 : vector<2048x64xf32>
    %slice3A_79 = vector.extract_strided_slice %dot_general3A_30 {offsets = [0, 256], sizes = [2048, 64], strides = [1, 1]} : vector<2048x512xf32> to vector<2048x64xf32>
    %slice3A_80 = vector.extract_strided_slice %max3A_63 {offsets = [0, 4], sizes = [2048, 1], strides = [1, 1]} : vector<2048x8xf32> to vector<2048x1xf32>
    %div3A_81 = vector.broadcast %slice3A_80 : vector<2048x1xf32> to vector<2048x64xf32>
    %div3A_82 = arith.divf %slice3A_79, %div3A_81 : vector<2048x64xf32>
    %slice3A_83 = vector.extract_strided_slice %dot_general3A_30 {offsets = [0, 320], sizes = [2048, 64], strides = [1, 1]} : vector<2048x512xf32> to vector<2048x64xf32>
    %slice3A_84 = vector.extract_strided_slice %max3A_63 {offsets = [0, 5], sizes = [2048, 1], strides = [1, 1]} : vector<2048x8xf32> to vector<2048x1xf32>
    %div3A_85 = vector.broadcast %slice3A_84 : vector<2048x1xf32> to vector<2048x64xf32>
    %div3A_86 = arith.divf %slice3A_83, %div3A_85 : vector<2048x64xf32>
    %slice3A_87 = vector.extract_strided_slice %dot_general3A_30 {offsets = [0, 384], sizes = [2048, 64], strides = [1, 1]} : vector<2048x512xf32> to vector<2048x64xf32>
    %slice3A_88 = vector.extract_strided_slice %max3A_63 {offsets = [0, 6], sizes = [2048, 1], strides = [1, 1]} : vector<2048x8xf32> to vector<2048x1xf32>
    %div3A_89 = vector.broadcast %slice3A_88 : vector<2048x1xf32> to vector<2048x64xf32>
    %div3A_90 = arith.divf %slice3A_87, %div3A_89 : vector<2048x64xf32>
    %slice3A_91 = vector.extract_strided_slice %dot_general3A_30 {offsets = [0, 448], sizes = [2048, 64], strides = [1, 1]} : vector<2048x512xf32> to vector<2048x64xf32>
    %slice3A_92 = vector.extract_strided_slice %max3A_63 {offsets = [0, 7], sizes = [2048, 1], strides = [1, 1]} : vector<2048x8xf32> to vector<2048x1xf32>
    %div3A_93 = vector.broadcast %slice3A_92 : vector<2048x1xf32> to vector<2048x64xf32>
    %div3A_94 = arith.divf %slice3A_91, %div3A_93 : vector<2048x64xf32>
    %concatenate3A = tpu.concatenate %div3A_66, %div3A_70, %div3A_74, %div3A_78, %div3A_82, %div3A_86, %div3A_90, %div3A_94 in 1 : vector<2048x64xf32>, vector<2048x64xf32>, vector<2048x64xf32>, vector<2048x64xf32>, vector<2048x64xf32>, vector<2048x64xf32>, vector<2048x64xf32>, vector<2048x64xf32> -> vector<2048x512xf32>
    %slice3A_95 = vector.extract_strided_slice %concatenate3A {offsets = [0, 0], sizes = [2048, 64], strides = [1, 1]} : vector<2048x512xf32> to vector<2048x64xf32>
    %convert_element_type3A_96 = arith.truncf %slice3A_95 : vector<2048x64xf32> to vector<2048x64xbf16>
    %swap3A = arith.constant 0 : index
    %swap3A_97 = arith.constant 0 : index
    %swap3A_98 = arith.constant 0 : index
    %swap3A_99 = vector.load %arg4[%swap3A, %swap3A_97, %swap3A_98] : memref<8x2048x64xbf16, #tpu.memory_space<vmem>>, vector<1x2048x64xbf16>
    %swap3A_100 = vector.shape_cast %swap3A_99 : vector<1x2048x64xbf16> to vector<2048x64xbf16>
    %swap3A_101 = vector.shape_cast %convert_element_type3A_96 : vector<2048x64xbf16> to vector<1x2048x64xbf16>
    tpu.vector_store %arg4[%swap3A, %swap3A_97, %swap3A_98], %swap3A_101 {strides = array<i32>} : memref<8x2048x64xbf16, #tpu.memory_space<vmem>>, vector<1x2048x64xbf16>,
    %slice3A_102 = vector.extract_strided_slice %concatenate3A {offsets = [0, 64], sizes = [2048, 64], strides = [1, 1]} : vector<2048x512xf32> to vector<2048x64xf32>
    %convert_element_type3A_103 = arith.truncf %slice3A_102 : vector<2048x64xf32> to vector<2048x64xbf16>
    %swap3A_104 = arith.constant 1 : index
    %swap3A_105 = arith.constant 0 : index
    %swap3A_106 = arith.constant 0 : index
    %swap3A_107 = vector.load %arg4[%swap3A_104, %swap3A_105, %swap3A_106] : memref<8x2048x64xbf16, #tpu.memory_space<vmem>>, vector<1x2048x64xbf16>
    %swap3A_108 = vector.shape_cast %swap3A_107 : vector<1x2048x64xbf16> to vector<2048x64xbf16>
    %swap3A_109 = vector.shape_cast %convert_element_type3A_103 : vector<2048x64xbf16> to vector<1x2048x64xbf16>
    tpu.vector_store %arg4[%swap3A_104, %swap3A_105, %swap3A_106], %swap3A_109 {strides = array<i32>} : memref<8x2048x64xbf16, #tpu.memory_space<vmem>>, vector<1x2048x64xbf16>,
    %slice3A_110 = vector.extract_strided_slice %concatenate3A {offsets = [0, 128], sizes = [2048, 64], strides = [1, 1]} : vector<2048x512xf32> to vector<2048x64xf32>
    %convert_element_type3A_111 = arith.truncf %slice3A_110 : vector<2048x64xf32> to vector<2048x64xbf16>
    %swap3A_112 = arith.constant 2 : index
    %swap3A_113 = arith.constant 0 : index
    %swap3A_114 = arith.constant 0 : index
    %swap3A_115 = vector.load %arg4[%swap3A_112, %swap3A_113, %swap3A_114] : memref<8x2048x64xbf16, #tpu.memory_space<vmem>>, vector<1x2048x64xbf16>
    %swap3A_116 = vector.shape_cast %swap3A_115 : vector<1x2048x64xbf16> to vector<2048x64xbf16>
    %swap3A_117 = vector.shape_cast %convert_element_type3A_111 : vector<2048x64xbf16> to vector<1x2048x64xbf16>
    tpu.vector_store %arg4[%swap3A_112, %swap3A_113, %swap3A_114], %swap3A_117 {strides = array<i32>} : memref<8x2048x64xbf16, #tpu.memory_space<vmem>>, vector<1x2048x64xbf16>,
    %slice3A_118 = vector.extract_strided_slice %concatenate3A {offsets = [0, 192], sizes = [2048, 64], strides = [1, 1]} : vector<2048x512xf32> to vector<2048x64xf32>
    %convert_element_type3A_119 = arith.truncf %slice3A_118 : vector<2048x64xf32> to vector<2048x64xbf16>
    %swap3A_120 = arith.constant 3 : index
    %swap3A_121 = arith.constant 0 : index
    %swap3A_122 = arith.constant 0 : index
    %swap3A_123 = vector.load %arg4[%swap3A_120, %swap3A_121, %swap3A_122] : memref<8x2048x64xbf16, #tpu.memory_space<vmem>>, vector<1x2048x64xbf16>
    %swap3A_124 = vector.shape_cast %swap3A_123 : vector<1x2048x64xbf16> to vector<2048x64xbf16>
    %swap3A_125 = vector.shape_cast %convert_element_type3A_119 : vector<2048x64xbf16> to vector<1x2048x64xbf16>
    tpu.vector_store %arg4[%swap3A_120, %swap3A_121, %swap3A_122], %swap3A_125 {strides = array<i32>} : memref<8x2048x64xbf16, #tpu.memory_space<vmem>>, vector<1x2048x64xbf16>,
    %slice3A_126 = vector.extract_strided_slice %concatenate3A {offsets = [0, 256], sizes = [2048, 64], strides = [1, 1]} : vector<2048x512xf32> to vector<2048x64xf32>
    %convert_element_type3A_127 = arith.truncf %slice3A_126 : vector<2048x64xf32> to vector<2048x64xbf16>
    %swap3A_128 = arith.constant 4 : index
    %swap3A_129 = arith.constant 0 : index
    %swap3A_130 = arith.constant 0 : index
    %swap3A_131 = vector.load %arg4[%swap3A_128, %swap3A_129, %swap3A_130] : memref<8x2048x64xbf16, #tpu.memory_space<vmem>>, vector<1x2048x64xbf16>
    %swap3A_132 = vector.shape_cast %swap3A_131 : vector<1x2048x64xbf16> to vector<2048x64xbf16>
    %swap3A_133 = vector.shape_cast %convert_element_type3A_127 : vector<2048x64xbf16> to vector<1x2048x64xbf16>
    tpu.vector_store %arg4[%swap3A_128, %swap3A_129, %swap3A_130], %swap3A_133 {strides = array<i32>} : memref<8x2048x64xbf16, #tpu.memory_space<vmem>>, vector<1x2048x64xbf16>,
    %slice3A_134 = vector.extract_strided_slice %concatenate3A {offsets = [0, 320], sizes = [2048, 64], strides = [1, 1]} : vector<2048x512xf32> to vector<2048x64xf32>
    %convert_element_type3A_135 = arith.truncf %slice3A_134 : vector<2048x64xf32> to vector<2048x64xbf16>
    %swap3A_136 = arith.constant 5 : index
    %swap3A_137 = arith.constant 0 : index
    %swap3A_138 = arith.constant 0 : index
    %swap3A_139 = vector.load %arg4[%swap3A_136, %swap3A_137, %swap3A_138] : memref<8x2048x64xbf16, #tpu.memory_space<vmem>>, vector<1x2048x64xbf16>
    %swap3A_140 = vector.shape_cast %swap3A_139 : vector<1x2048x64xbf16> to vector<2048x64xbf16>
    %swap3A_141 = vector.shape_cast %convert_element_type3A_135 : vector<2048x64xbf16> to vector<1x2048x64xbf16>
    tpu.vector_store %arg4[%swap3A_136, %swap3A_137, %swap3A_138], %swap3A_141 {strides = array<i32>} : memref<8x2048x64xbf16, #tpu.memory_space<vmem>>, vector<1x2048x64xbf16>,
    %slice3A_142 = vector.extract_strided_slice %concatenate3A {offsets = [0, 384], sizes = [2048, 64], strides = [1, 1]} : vector<2048x512xf32> to vector<2048x64xf32>
    %convert_element_type3A_143 = arith.truncf %slice3A_142 : vector<2048x64xf32> to vector<2048x64xbf16>
    %swap3A_144 = arith.constant 6 : index
    %swap3A_145 = arith.constant 0 : index
    %swap3A_146 = arith.constant 0 : index
    %swap3A_147 = vector.load %arg4[%swap3A_144, %swap3A_145, %swap3A_146] : memref<8x2048x64xbf16, #tpu.memory_space<vmem>>, vector<1x2048x64xbf16>
    %swap3A_148 = vector.shape_cast %swap3A_147 : vector<1x2048x64xbf16> to vector<2048x64xbf16>
    %swap3A_149 = vector.shape_cast %convert_element_type3A_143 : vector<2048x64xbf16> to vector<1x2048x64xbf16>
    tpu.vector_store %arg4[%swap3A_144, %swap3A_145, %swap3A_146], %swap3A_149 {strides = array<i32>} : memref<8x2048x64xbf16, #tpu.memory_space<vmem>>, vector<1x2048x64xbf16>,
    %slice3A_150 = vector.extract_strided_slice %concatenate3A {offsets = [0, 448], sizes = [2048, 64], strides = [1, 1]} : vector<2048x512xf32> to vector<2048x64xf32>
    %convert_element_type3A_151 = arith.truncf %slice3A_150 : vector<2048x64xf32> to vector<2048x64xbf16>
    %swap3A_152 = arith.constant 7 : index
    %swap3A_153 = arith.constant 0 : index
    %swap3A_154 = arith.constant 0 : index
    %swap3A_155 = vector.load %arg4[%swap3A_152, %swap3A_153, %swap3A_154] : memref<8x2048x64xbf16, #tpu.memory_space<vmem>>, vector<1x2048x64xbf16>
    %swap3A_156 = vector.shape_cast %swap3A_155 : vector<1x2048x64xbf16> to vector<2048x64xbf16>
    %swap3A_157 = vector.shape_cast %convert_element_type3A_151 : vector<2048x64xbf16> to vector<1x2048x64xbf16>
    tpu.vector_store %arg4[%swap3A_152, %swap3A_153, %swap3A_154], %swap3A_157 {strides = array<i32>} : memref<8x2048x64xbf16, #tpu.memory_space<vmem>>, vector<1x2048x64xbf16>,
    %reduce_sum3A_158 = arith.constant dense<0.000000e+00> : vector<512xf32>
    %reduce_sum3A_159 = vector.multi_reduction <add>, %concatenate3A, %reduce_sum3A_158 [0] : vector<2048x512xf32> to vector<512xf32>
    %broadcast_in_dim3A_160 = vector.shape_cast %reduce_sum3A_159 : vector<512xf32> to vector<1x512xf32>
    %swap3A_161 = arith.constant 0 : index
    %swap3A_162 = arith.constant 0 : index
    %swap3A_163 = vector.load %arg5[%swap3A_161, %swap3A_162] : memref<1x512xf32, #tpu.memory_space<vmem>>, vector<1x512xf32>
    tpu.vector_store %arg5[%swap3A_161, %swap3A_162], %broadcast_in_dim3A_160 {strides = array<i32>} : memref<1x512xf32, #tpu.memory_space<vmem>>, vector<1x512xf32>,
    return
  }
}

module attributes {stable_mosaic.version = 14 : i64} {
  func.func @_topk_body(%arg0: memref<1x512xf32, #tpu.memory_space<vmem>>, %arg1: memref<16x512xf32, #tpu.memory_space<vmem>>, %arg2: memref<32x512xf32, #tpu.memory_space<vmem>>, %arg3: memref<32x512xf32, #tpu.memory_space<vmem>>, %arg4: memref<8x8xi32, #tpu.memory_space<vmem>>, %arg5: memref<16x8xi32, #tpu.memory_space<vmem>>, %arg6: memref<16x8xi32, #tpu.memory_space<vmem>>) attributes {dimension_semantics = [], scalar_prefetch = 0 : i64, scratch_operands = 0 : i64, tpu.core_type = #tpu.core_type<tc>} {
    %get3A = arith.constant 0 : index
    %get3A_0 = arith.constant 0 : index
    %get3A_1 = vector.load %arg0[%get3A, %get3A_0] : memref<1x512xf32, #tpu.memory_space<vmem>>, vector<1x512xf32>
    %get3A_2 = arith.constant 0 : index
    %get3A_3 = arith.constant 0 : index
    %get3A_4 = vector.load %arg1[%get3A_2, %get3A_3] : memref<16x512xf32, #tpu.memory_space<vmem>>, vector<16x512xf32>
    %convert_element_type3A = arith.truncf %get3A_4 : vector<16x512xf32> to vector<16x512xbf16>
    %convert_element_type3A_5 = arith.extf %convert_element_type3A : vector<16x512xbf16> to vector<16x512xf32>
    %convert_element_type3A_6 = arith.truncf %get3A_1 : vector<1x512xf32> to vector<1x512xbf16>
    %convert_element_type3A_7 = arith.extf %convert_element_type3A_6 : vector<1x512xbf16> to vector<1x512xf32>
    %mul3A = vector.broadcast %convert_element_type3A_7 : vector<1x512xf32> to vector<16x512xf32>
    %mul3A_8 = arith.mulf %convert_element_type3A_5, %mul3A : vector<16x512xf32>
    %slice3A = vector.extract_strided_slice %mul3A_8 {offsets = [0, 0], sizes = [16, 64], strides = [1, 1]} : vector<16x512xf32> to vector<16x64xf32>
    %reduce_sum3A = arith.constant dense<0.000000e+00> : vector<16xf32>
    %reduce_sum3A_9 = vector.multi_reduction <add>, %slice3A, %reduce_sum3A [1] : vector<16x64xf32> to vector<16xf32>
    %broadcast_in_dim3A = vector.shape_cast %reduce_sum3A_9 : vector<16xf32> to vector<16x1xf32>
    %slice3A_10 = vector.extract_strided_slice %mul3A_8 {offsets = [0, 64], sizes = [16, 64], strides = [1, 1]} : vector<16x512xf32> to vector<16x64xf32>
    %reduce_sum3A_11 = arith.constant dense<0.000000e+00> : vector<16xf32>
    %reduce_sum3A_12 = vector.multi_reduction <add>, %slice3A_10, %reduce_sum3A_11 [1] : vector<16x64xf32> to vector<16xf32>
    %broadcast_in_dim3A_13 = vector.shape_cast %reduce_sum3A_12 : vector<16xf32> to vector<16x1xf32>
    %slice3A_14 = vector.extract_strided_slice %mul3A_8 {offsets = [0, 128], sizes = [16, 64], strides = [1, 1]} : vector<16x512xf32> to vector<16x64xf32>
    %reduce_sum3A_15 = arith.constant dense<0.000000e+00> : vector<16xf32>
    %reduce_sum3A_16 = vector.multi_reduction <add>, %slice3A_14, %reduce_sum3A_15 [1] : vector<16x64xf32> to vector<16xf32>
    %broadcast_in_dim3A_17 = vector.shape_cast %reduce_sum3A_16 : vector<16xf32> to vector<16x1xf32>
    %slice3A_18 = vector.extract_strided_slice %mul3A_8 {offsets = [0, 192], sizes = [16, 64], strides = [1, 1]} : vector<16x512xf32> to vector<16x64xf32>
    %reduce_sum3A_19 = arith.constant dense<0.000000e+00> : vector<16xf32>
    %reduce_sum3A_20 = vector.multi_reduction <add>, %slice3A_18, %reduce_sum3A_19 [1] : vector<16x64xf32> to vector<16xf32>
    %broadcast_in_dim3A_21 = vector.shape_cast %reduce_sum3A_20 : vector<16xf32> to vector<16x1xf32>
    %slice3A_22 = vector.extract_strided_slice %mul3A_8 {offsets = [0, 256], sizes = [16, 64], strides = [1, 1]} : vector<16x512xf32> to vector<16x64xf32>
    %reduce_sum3A_23 = arith.constant dense<0.000000e+00> : vector<16xf32>
    %reduce_sum3A_24 = vector.multi_reduction <add>, %slice3A_22, %reduce_sum3A_23 [1] : vector<16x64xf32> to vector<16xf32>
    %broadcast_in_dim3A_25 = vector.shape_cast %reduce_sum3A_24 : vector<16xf32> to vector<16x1xf32>
    %slice3A_26 = vector.extract_strided_slice %mul3A_8 {offsets = [0, 320], sizes = [16, 64], strides = [1, 1]} : vector<16x512xf32> to vector<16x64xf32>
    %reduce_sum3A_27 = arith.constant dense<0.000000e+00> : vector<16xf32>
    %reduce_sum3A_28 = vector.multi_reduction <add>, %slice3A_26, %reduce_sum3A_27 [1] : vector<16x64xf32> to vector<16xf32>
    %broadcast_in_dim3A_29 = vector.shape_cast %reduce_sum3A_28 : vector<16xf32> to vector<16x1xf32>
    %slice3A_30 = vector.extract_strided_slice %mul3A_8 {offsets = [0, 384], sizes = [16, 64], strides = [1, 1]} : vector<16x512xf32> to vector<16x64xf32>
    %reduce_sum3A_31 = arith.constant dense<0.000000e+00> : vector<16xf32>
    %reduce_sum3A_32 = vector.multi_reduction <add>, %slice3A_30, %reduce_sum3A_31 [1] : vector<16x64xf32> to vector<16xf32>
    %broadcast_in_dim3A_33 = vector.shape_cast %reduce_sum3A_32 : vector<16xf32> to vector<16x1xf32>
    %slice3A_34 = vector.extract_strided_slice %mul3A_8 {offsets = [0, 448], sizes = [16, 64], strides = [1, 1]} : vector<16x512xf32> to vector<16x64xf32>
    %reduce_sum3A_35 = arith.constant dense<0.000000e+00> : vector<16xf32>
    %reduce_sum3A_36 = vector.multi_reduction <add>, %slice3A_34, %reduce_sum3A_35 [1] : vector<16x64xf32> to vector<16xf32>
    %broadcast_in_dim3A_37 = vector.shape_cast %reduce_sum3A_36 : vector<16xf32> to vector<16x1xf32>
    %concatenate3A = tpu.concatenate %broadcast_in_dim3A, %broadcast_in_dim3A_13, %broadcast_in_dim3A_17, %broadcast_in_dim3A_21, %broadcast_in_dim3A_25, %broadcast_in_dim3A_29, %broadcast_in_dim3A_33, %broadcast_in_dim3A_37 in 1 : vector<16x1xf32>, vector<16x1xf32>, vector<16x1xf32>, vector<16x1xf32>, vector<16x1xf32>, vector<16x1xf32>, vector<16x1xf32>, vector<16x1xf32> -> vector<16x8xf32>
    %iota3A = tpu.iota {dimensions = array<i32: 0>} : vector<16x8xi32>
    %reduce_max3A = arith.constant dense<0xFF800000> : vector<8xf32>
    %reduce_max3A_38 = vector.multi_reduction <maximumf>, %concatenate3A, %reduce_max3A [0] : vector<16x8xf32> to vector<8xf32>
    %broadcast_in_dim3A_39 = vector.shape_cast %reduce_max3A_38 : vector<8xf32> to vector<1x8xf32>
    %eq3A = vector.broadcast %broadcast_in_dim3A_39 : vector<1x8xf32> to vector<16x8xf32>
    %eq3A_40 = arith.cmpf oeq, %concatenate3A, %eq3A : vector<16x8xf32>
    %jit3A = arith.constant 16 : i32
    %broadcast_in_dim3A_41 = vector.broadcast %jit3A : i32 to vector<16x8xi32>
    %select_n3A = arith.select %eq3A_40, %iota3A, %broadcast_in_dim3A_41 : vector<16x8xi1>, vector<16x8xi32>
    %reduce_min3A = arith.constant dense<2147483647> : vector<8xi32>
    %reduce_min3A_42 = vector.multi_reduction <minsi>, %select_n3A, %reduce_min3A [0] : vector<16x8xi32> to vector<8xi32>
    %broadcast_in_dim3A_43 = vector.shape_cast %reduce_min3A_42 : vector<8xi32> to vector<1x8xi32>
    %swap3A = arith.constant 0 : index
    %swap3A_44 = arith.constant 0 : index
    %swap3A_45 = vector.load %arg4[%swap3A, %swap3A_44] : memref<8x8xi32, #tpu.memory_space<vmem>>, vector<1x8xi32>
    tpu.vector_store %arg4[%swap3A, %swap3A_44], %broadcast_in_dim3A_43 {strides = array<i32>} : memref<8x8xi32, #tpu.memory_space<vmem>>, vector<1x8xi32>,
    %eq3A_46 = vector.broadcast %broadcast_in_dim3A_43 : vector<1x8xi32> to vector<16x8xi32>
    %eq3A_47 = arith.cmpi eq, %iota3A, %eq3A_46 : vector<16x8xi32>
    %jit3A_48 = arith.constant 0xFF800000 : f32
    %broadcast_in_dim3A_49 = vector.broadcast %jit3A_48 : f32 to vector<16x8xf32>
    %select_n3A_50 = arith.select %eq3A_47, %broadcast_in_dim3A_49, %concatenate3A : vector<16x8xi1>, vector<16x8xf32>
    %reduce_max3A_51 = arith.constant dense<0xFF800000> : vector<8xf32>
    %reduce_max3A_52 = vector.multi_reduction <maximumf>, %select_n3A_50, %reduce_max3A_51 [0] : vector<16x8xf32> to vector<8xf32>
    %broadcast_in_dim3A_53 = vector.shape_cast %reduce_max3A_52 : vector<8xf32> to vector<1x8xf32>
    %eq3A_54 = vector.broadcast %broadcast_in_dim3A_53 : vector<1x8xf32> to vector<16x8xf32>
    %eq3A_55 = arith.cmpf oeq, %select_n3A_50, %eq3A_54 : vector<16x8xf32>
    %jit3A_56 = arith.constant 16 : i32
    %broadcast_in_dim3A_57 = vector.broadcast %jit3A_56 : i32 to vector<16x8xi32>
    %select_n3A_58 = arith.select %eq3A_55, %iota3A, %broadcast_in_dim3A_57 : vector<16x8xi1>, vector<16x8xi32>
    %reduce_min3A_59 = arith.constant dense<2147483647> : vector<8xi32>
    %reduce_min3A_60 = vector.multi_reduction <minsi>, %select_n3A_58, %reduce_min3A_59 [0] : vector<16x8xi32> to vector<8xi32>
    %broadcast_in_dim3A_61 = vector.shape_cast %reduce_min3A_60 : vector<8xi32> to vector<1x8xi32>
    %swap3A_62 = arith.constant 1 : index
    %swap3A_63 = arith.constant 0 : index
    %swap3A_64 = vector.load %arg4[%swap3A_62, %swap3A_63] : memref<8x8xi32, #tpu.memory_space<vmem>>, vector<1x8xi32>
    tpu.vector_store %arg4[%swap3A_62, %swap3A_63], %broadcast_in_dim3A_61 {strides = array<i32>} : memref<8x8xi32, #tpu.memory_space<vmem>>, vector<1x8xi32>,
    %eq3A_65 = vector.broadcast %broadcast_in_dim3A_61 : vector<1x8xi32> to vector<16x8xi32>
    %eq3A_66 = arith.cmpi eq, %iota3A, %eq3A_65 : vector<16x8xi32>
    %jit3A_67 = arith.constant 0xFF800000 : f32
    %broadcast_in_dim3A_68 = vector.broadcast %jit3A_67 : f32 to vector<16x8xf32>
    %select_n3A_69 = arith.select %eq3A_66, %broadcast_in_dim3A_68, %select_n3A_50 : vector<16x8xi1>, vector<16x8xf32>
    %reduce_max3A_70 = arith.constant dense<0xFF800000> : vector<8xf32>
    %reduce_max3A_71 = vector.multi_reduction <maximumf>, %select_n3A_69, %reduce_max3A_70 [0] : vector<16x8xf32> to vector<8xf32>
    %broadcast_in_dim3A_72 = vector.shape_cast %reduce_max3A_71 : vector<8xf32> to vector<1x8xf32>
    %eq3A_73 = vector.broadcast %broadcast_in_dim3A_72 : vector<1x8xf32> to vector<16x8xf32>
    %eq3A_74 = arith.cmpf oeq, %select_n3A_69, %eq3A_73 : vector<16x8xf32>
    %jit3A_75 = arith.constant 16 : i32
    %broadcast_in_dim3A_76 = vector.broadcast %jit3A_75 : i32 to vector<16x8xi32>
    %select_n3A_77 = arith.select %eq3A_74, %iota3A, %broadcast_in_dim3A_76 : vector<16x8xi1>, vector<16x8xi32>
    %reduce_min3A_78 = arith.constant dense<2147483647> : vector<8xi32>
    %reduce_min3A_79 = vector.multi_reduction <minsi>, %select_n3A_77, %reduce_min3A_78 [0] : vector<16x8xi32> to vector<8xi32>
    %broadcast_in_dim3A_80 = vector.shape_cast %reduce_min3A_79 : vector<8xi32> to vector<1x8xi32>
    %swap3A_81 = arith.constant 2 : index
    %swap3A_82 = arith.constant 0 : index
    %swap3A_83 = vector.load %arg4[%swap3A_81, %swap3A_82] : memref<8x8xi32, #tpu.memory_space<vmem>>, vector<1x8xi32>
    tpu.vector_store %arg4[%swap3A_81, %swap3A_82], %broadcast_in_dim3A_80 {strides = array<i32>} : memref<8x8xi32, #tpu.memory_space<vmem>>, vector<1x8xi32>,
    %eq3A_84 = vector.broadcast %broadcast_in_dim3A_80 : vector<1x8xi32> to vector<16x8xi32>
    %eq3A_85 = arith.cmpi eq, %iota3A, %eq3A_84 : vector<16x8xi32>
    %jit3A_86 = arith.constant 0xFF800000 : f32
    %broadcast_in_dim3A_87 = vector.broadcast %jit3A_86 : f32 to vector<16x8xf32>
    %select_n3A_88 = arith.select %eq3A_85, %broadcast_in_dim3A_87, %select_n3A_69 : vector<16x8xi1>, vector<16x8xf32>
    %reduce_max3A_89 = arith.constant dense<0xFF800000> : vector<8xf32>
    %reduce_max3A_90 = vector.multi_reduction <maximumf>, %select_n3A_88, %reduce_max3A_89 [0] : vector<16x8xf32> to vector<8xf32>
    %broadcast_in_dim3A_91 = vector.shape_cast %reduce_max3A_90 : vector<8xf32> to vector<1x8xf32>
    %eq3A_92 = vector.broadcast %broadcast_in_dim3A_91 : vector<1x8xf32> to vector<16x8xf32>
    %eq3A_93 = arith.cmpf oeq, %select_n3A_88, %eq3A_92 : vector<16x8xf32>
    %jit3A_94 = arith.constant 16 : i32
    %broadcast_in_dim3A_95 = vector.broadcast %jit3A_94 : i32 to vector<16x8xi32>
    %select_n3A_96 = arith.select %eq3A_93, %iota3A, %broadcast_in_dim3A_95 : vector<16x8xi1>, vector<16x8xi32>
    %reduce_min3A_97 = arith.constant dense<2147483647> : vector<8xi32>
    %reduce_min3A_98 = vector.multi_reduction <minsi>, %select_n3A_96, %reduce_min3A_97 [0] : vector<16x8xi32> to vector<8xi32>
    %broadcast_in_dim3A_99 = vector.shape_cast %reduce_min3A_98 : vector<8xi32> to vector<1x8xi32>
    %swap3A_100 = arith.constant 3 : index
    %swap3A_101 = arith.constant 0 : index
    %swap3A_102 = vector.load %arg4[%swap3A_100, %swap3A_101] : memref<8x8xi32, #tpu.memory_space<vmem>>, vector<1x8xi32>
    tpu.vector_store %arg4[%swap3A_100, %swap3A_101], %broadcast_in_dim3A_99 {strides = array<i32>} : memref<8x8xi32, #tpu.memory_space<vmem>>, vector<1x8xi32>,
    %eq3A_103 = vector.broadcast %broadcast_in_dim3A_99 : vector<1x8xi32> to vector<16x8xi32>
    %eq3A_104 = arith.cmpi eq, %iota3A, %eq3A_103 : vector<16x8xi32>
    %jit3A_105 = arith.constant 0xFF800000 : f32
    %broadcast_in_dim3A_106 = vector.broadcast %jit3A_105 : f32 to vector<16x8xf32>
    %select_n3A_107 = arith.select %eq3A_104, %broadcast_in_dim3A_106, %select_n3A_88 : vector<16x8xi1>, vector<16x8xf32>
    %reduce_max3A_108 = arith.constant dense<0xFF800000> : vector<8xf32>
    %reduce_max3A_109 = vector.multi_reduction <maximumf>, %select_n3A_107, %reduce_max3A_108 [0] : vector<16x8xf32> to vector<8xf32>
    %broadcast_in_dim3A_110 = vector.shape_cast %reduce_max3A_109 : vector<8xf32> to vector<1x8xf32>
    %eq3A_111 = vector.broadcast %broadcast_in_dim3A_110 : vector<1x8xf32> to vector<16x8xf32>
    %eq3A_112 = arith.cmpf oeq, %select_n3A_107, %eq3A_111 : vector<16x8xf32>
    %jit3A_113 = arith.constant 16 : i32
    %broadcast_in_dim3A_114 = vector.broadcast %jit3A_113 : i32 to vector<16x8xi32>
    %select_n3A_115 = arith.select %eq3A_112, %iota3A, %broadcast_in_dim3A_114 : vector<16x8xi1>, vector<16x8xi32>
    %reduce_min3A_116 = arith.constant dense<2147483647> : vector<8xi32>
    %reduce_min3A_117 = vector.multi_reduction <minsi>, %select_n3A_115, %reduce_min3A_116 [0] : vector<16x8xi32> to vector<8xi32>
    %broadcast_in_dim3A_118 = vector.shape_cast %reduce_min3A_117 : vector<8xi32> to vector<1x8xi32>
    %swap3A_119 = arith.constant 4 : index
    %swap3A_120 = arith.constant 0 : index
    %swap3A_121 = vector.load %arg4[%swap3A_119, %swap3A_120] : memref<8x8xi32, #tpu.memory_space<vmem>>, vector<1x8xi32>
    tpu.vector_store %arg4[%swap3A_119, %swap3A_120], %broadcast_in_dim3A_118 {strides = array<i32>} : memref<8x8xi32, #tpu.memory_space<vmem>>, vector<1x8xi32>,
    %eq3A_122 = vector.broadcast %broadcast_in_dim3A_118 : vector<1x8xi32> to vector<16x8xi32>
    %eq3A_123 = arith.cmpi eq, %iota3A, %eq3A_122 : vector<16x8xi32>
    %jit3A_124 = arith.constant 0xFF800000 : f32
    %broadcast_in_dim3A_125 = vector.broadcast %jit3A_124 : f32 to vector<16x8xf32>
    %select_n3A_126 = arith.select %eq3A_123, %broadcast_in_dim3A_125, %select_n3A_107 : vector<16x8xi1>, vector<16x8xf32>
    %reduce_max3A_127 = arith.constant dense<0xFF800000> : vector<8xf32>
    %reduce_max3A_128 = vector.multi_reduction <maximumf>, %select_n3A_126, %reduce_max3A_127 [0] : vector<16x8xf32> to vector<8xf32>
    %broadcast_in_dim3A_129 = vector.shape_cast %reduce_max3A_128 : vector<8xf32> to vector<1x8xf32>
    %eq3A_130 = vector.broadcast %broadcast_in_dim3A_129 : vector<1x8xf32> to vector<16x8xf32>
    %eq3A_131 = arith.cmpf oeq, %select_n3A_126, %eq3A_130 : vector<16x8xf32>
    %jit3A_132 = arith.constant 16 : i32
    %broadcast_in_dim3A_133 = vector.broadcast %jit3A_132 : i32 to vector<16x8xi32>
    %select_n3A_134 = arith.select %eq3A_131, %iota3A, %broadcast_in_dim3A_133 : vector<16x8xi1>, vector<16x8xi32>
    %reduce_min3A_135 = arith.constant dense<2147483647> : vector<8xi32>
    %reduce_min3A_136 = vector.multi_reduction <minsi>, %select_n3A_134, %reduce_min3A_135 [0] : vector<16x8xi32> to vector<8xi32>
    %broadcast_in_dim3A_137 = vector.shape_cast %reduce_min3A_136 : vector<8xi32> to vector<1x8xi32>
    %swap3A_138 = arith.constant 5 : index
    %swap3A_139 = arith.constant 0 : index
    %swap3A_140 = vector.load %arg4[%swap3A_138, %swap3A_139] : memref<8x8xi32, #tpu.memory_space<vmem>>, vector<1x8xi32>
    tpu.vector_store %arg4[%swap3A_138, %swap3A_139], %broadcast_in_dim3A_137 {strides = array<i32>} : memref<8x8xi32, #tpu.memory_space<vmem>>, vector<1x8xi32>,
    %eq3A_141 = vector.broadcast %broadcast_in_dim3A_137 : vector<1x8xi32> to vector<16x8xi32>
    %eq3A_142 = arith.cmpi eq, %iota3A, %eq3A_141 : vector<16x8xi32>
    %jit3A_143 = arith.constant 0xFF800000 : f32
    %broadcast_in_dim3A_144 = vector.broadcast %jit3A_143 : f32 to vector<16x8xf32>
    %select_n3A_145 = arith.select %eq3A_142, %broadcast_in_dim3A_144, %select_n3A_126 : vector<16x8xi1>, vector<16x8xf32>
    %reduce_max3A_146 = arith.constant dense<0xFF800000> : vector<8xf32>
    %reduce_max3A_147 = vector.multi_reduction <maximumf>, %select_n3A_145, %reduce_max3A_146 [0] : vector<16x8xf32> to vector<8xf32>
    %broadcast_in_dim3A_148 = vector.shape_cast %reduce_max3A_147 : vector<8xf32> to vector<1x8xf32>
    %eq3A_149 = vector.broadcast %broadcast_in_dim3A_148 : vector<1x8xf32> to vector<16x8xf32>
    %eq3A_150 = arith.cmpf oeq, %select_n3A_145, %eq3A_149 : vector<16x8xf32>
    %jit3A_151 = arith.constant 16 : i32
    %broadcast_in_dim3A_152 = vector.broadcast %jit3A_151 : i32 to vector<16x8xi32>
    %select_n3A_153 = arith.select %eq3A_150, %iota3A, %broadcast_in_dim3A_152 : vector<16x8xi1>, vector<16x8xi32>
    %reduce_min3A_154 = arith.constant dense<2147483647> : vector<8xi32>
    %reduce_min3A_155 = vector.multi_reduction <minsi>, %select_n3A_153, %reduce_min3A_154 [0] : vector<16x8xi32> to vector<8xi32>
    %broadcast_in_dim3A_156 = vector.shape_cast %reduce_min3A_155 : vector<8xi32> to vector<1x8xi32>
    %swap3A_157 = arith.constant 6 : index
    %swap3A_158 = arith.constant 0 : index
    %swap3A_159 = vector.load %arg4[%swap3A_157, %swap3A_158] : memref<8x8xi32, #tpu.memory_space<vmem>>, vector<1x8xi32>
    tpu.vector_store %arg4[%swap3A_157, %swap3A_158], %broadcast_in_dim3A_156 {strides = array<i32>} : memref<8x8xi32, #tpu.memory_space<vmem>>, vector<1x8xi32>,
    %eq3A_160 = vector.broadcast %broadcast_in_dim3A_156 : vector<1x8xi32> to vector<16x8xi32>
    %eq3A_161 = arith.cmpi eq, %iota3A, %eq3A_160 : vector<16x8xi32>
    %jit3A_162 = arith.constant 0xFF800000 : f32
    %broadcast_in_dim3A_163 = vector.broadcast %jit3A_162 : f32 to vector<16x8xf32>
    %select_n3A_164 = arith.select %eq3A_161, %broadcast_in_dim3A_163, %select_n3A_145 : vector<16x8xi1>, vector<16x8xf32>
    %reduce_max3A_165 = arith.constant dense<0xFF800000> : vector<8xf32>
    %reduce_max3A_166 = vector.multi_reduction <maximumf>, %select_n3A_164, %reduce_max3A_165 [0] : vector<16x8xf32> to vector<8xf32>
    %broadcast_in_dim3A_167 = vector.shape_cast %reduce_max3A_166 : vector<8xf32> to vector<1x8xf32>
    %eq3A_168 = vector.broadcast %broadcast_in_dim3A_167 : vector<1x8xf32> to vector<16x8xf32>
    %eq3A_169 = arith.cmpf oeq, %select_n3A_164, %eq3A_168 : vector<16x8xf32>
    %jit3A_170 = arith.constant 16 : i32
    %broadcast_in_dim3A_171 = vector.broadcast %jit3A_170 : i32 to vector<16x8xi32>
    %select_n3A_172 = arith.select %eq3A_169, %iota3A, %broadcast_in_dim3A_171 : vector<16x8xi1>, vector<16x8xi32>
    %reduce_min3A_173 = arith.constant dense<2147483647> : vector<8xi32>
    %reduce_min3A_174 = vector.multi_reduction <minsi>, %select_n3A_172, %reduce_min3A_173 [0] : vector<16x8xi32> to vector<8xi32>
    %broadcast_in_dim3A_175 = vector.shape_cast %reduce_min3A_174 : vector<8xi32> to vector<1x8xi32>
    %swap3A_176 = arith.constant 7 : index
    %swap3A_177 = arith.constant 0 : index
    %swap3A_178 = vector.load %arg4[%swap3A_176, %swap3A_177] : memref<8x8xi32, #tpu.memory_space<vmem>>, vector<1x8xi32>
    tpu.vector_store %arg4[%swap3A_176, %swap3A_177], %broadcast_in_dim3A_175 {strides = array<i32>} : memref<8x8xi32, #tpu.memory_space<vmem>>, vector<1x8xi32>,
    %get3A_179 = arith.constant 0 : index
    %get3A_180 = arith.constant 0 : index
    %get3A_181 = vector.load %arg2[%get3A_179, %get3A_180] : memref<32x512xf32, #tpu.memory_space<vmem>>, vector<32x512xf32>
    %convert_element_type3A_182 = arith.truncf %get3A_181 : vector<32x512xf32> to vector<32x512xbf16>
    %convert_element_type3A_183 = arith.extf %convert_element_type3A_182 : vector<32x512xbf16> to vector<32x512xf32>
    %convert_element_type3A_184 = arith.truncf %get3A_1 : vector<1x512xf32> to vector<1x512xbf16>
    %convert_element_type3A_185 = arith.extf %convert_element_type3A_184 : vector<1x512xbf16> to vector<1x512xf32>
    %mul3A_186 = vector.broadcast %convert_element_type3A_185 : vector<1x512xf32> to vector<32x512xf32>
    %mul3A_187 = arith.mulf %convert_element_type3A_183, %mul3A_186 : vector<32x512xf32>
    %slice3A_188 = vector.extract_strided_slice %mul3A_187 {offsets = [0, 0], sizes = [32, 64], strides = [1, 1]} : vector<32x512xf32> to vector<32x64xf32>
    %reduce_sum3A_189 = arith.constant dense<0.000000e+00> : vector<32xf32>
    %reduce_sum3A_190 = vector.multi_reduction <add>, %slice3A_188, %reduce_sum3A_189 [1] : vector<32x64xf32> to vector<32xf32>
    %broadcast_in_dim3A_191 = vector.shape_cast %reduce_sum3A_190 : vector<32xf32> to vector<32x1xf32>
    %slice3A_192 = vector.extract_strided_slice %mul3A_187 {offsets = [0, 64], sizes = [32, 64], strides = [1, 1]} : vector<32x512xf32> to vector<32x64xf32>
    %reduce_sum3A_193 = arith.constant dense<0.000000e+00> : vector<32xf32>
    %reduce_sum3A_194 = vector.multi_reduction <add>, %slice3A_192, %reduce_sum3A_193 [1] : vector<32x64xf32> to vector<32xf32>
    %broadcast_in_dim3A_195 = vector.shape_cast %reduce_sum3A_194 : vector<32xf32> to vector<32x1xf32>
    %slice3A_196 = vector.extract_strided_slice %mul3A_187 {offsets = [0, 128], sizes = [32, 64], strides = [1, 1]} : vector<32x512xf32> to vector<32x64xf32>
    %reduce_sum3A_197 = arith.constant dense<0.000000e+00> : vector<32xf32>
    %reduce_sum3A_198 = vector.multi_reduction <add>, %slice3A_196, %reduce_sum3A_197 [1] : vector<32x64xf32> to vector<32xf32>
    %broadcast_in_dim3A_199 = vector.shape_cast %reduce_sum3A_198 : vector<32xf32> to vector<32x1xf32>
    %slice3A_200 = vector.extract_strided_slice %mul3A_187 {offsets = [0, 192], sizes = [32, 64], strides = [1, 1]} : vector<32x512xf32> to vector<32x64xf32>
    %reduce_sum3A_201 = arith.constant dense<0.000000e+00> : vector<32xf32>
    %reduce_sum3A_202 = vector.multi_reduction <add>, %slice3A_200, %reduce_sum3A_201 [1] : vector<32x64xf32> to vector<32xf32>
    %broadcast_in_dim3A_203 = vector.shape_cast %reduce_sum3A_202 : vector<32xf32> to vector<32x1xf32>
    %slice3A_204 = vector.extract_strided_slice %mul3A_187 {offsets = [0, 256], sizes = [32, 64], strides = [1, 1]} : vector<32x512xf32> to vector<32x64xf32>
    %reduce_sum3A_205 = arith.constant dense<0.000000e+00> : vector<32xf32>
    %reduce_sum3A_206 = vector.multi_reduction <add>, %slice3A_204, %reduce_sum3A_205 [1] : vector<32x64xf32> to vector<32xf32>
    %broadcast_in_dim3A_207 = vector.shape_cast %reduce_sum3A_206 : vector<32xf32> to vector<32x1xf32>
    %slice3A_208 = vector.extract_strided_slice %mul3A_187 {offsets = [0, 320], sizes = [32, 64], strides = [1, 1]} : vector<32x512xf32> to vector<32x64xf32>
    %reduce_sum3A_209 = arith.constant dense<0.000000e+00> : vector<32xf32>
    %reduce_sum3A_210 = vector.multi_reduction <add>, %slice3A_208, %reduce_sum3A_209 [1] : vector<32x64xf32> to vector<32xf32>
    %broadcast_in_dim3A_211 = vector.shape_cast %reduce_sum3A_210 : vector<32xf32> to vector<32x1xf32>
    %slice3A_212 = vector.extract_strided_slice %mul3A_187 {offsets = [0, 384], sizes = [32, 64], strides = [1, 1]} : vector<32x512xf32> to vector<32x64xf32>
    %reduce_sum3A_213 = arith.constant dense<0.000000e+00> : vector<32xf32>
    %reduce_sum3A_214 = vector.multi_reduction <add>, %slice3A_212, %reduce_sum3A_213 [1] : vector<32x64xf32> to vector<32xf32>
    %broadcast_in_dim3A_215 = vector.shape_cast %reduce_sum3A_214 : vector<32xf32> to vector<32x1xf32>
    %slice3A_216 = vector.extract_strided_slice %mul3A_187 {offsets = [0, 448], sizes = [32, 64], strides = [1, 1]} : vector<32x512xf32> to vector<32x64xf32>
    %reduce_sum3A_217 = arith.constant dense<0.000000e+00> : vector<32xf32>
    %reduce_sum3A_218 = vector.multi_reduction <add>, %slice3A_216, %reduce_sum3A_217 [1] : vector<32x64xf32> to vector<32xf32>
    %broadcast_in_dim3A_219 = vector.shape_cast %reduce_sum3A_218 : vector<32xf32> to vector<32x1xf32>
    %concatenate3A_220 = tpu.concatenate %broadcast_in_dim3A_191, %broadcast_in_dim3A_195, %broadcast_in_dim3A_199, %broadcast_in_dim3A_203, %broadcast_in_dim3A_207, %broadcast_in_dim3A_211, %broadcast_in_dim3A_215, %broadcast_in_dim3A_219 in 1 : vector<32x1xf32>, vector<32x1xf32>, vector<32x1xf32>, vector<32x1xf32>, vector<32x1xf32>, vector<32x1xf32>, vector<32x1xf32>, vector<32x1xf32> -> vector<32x8xf32>
    %iota3A_221 = tpu.iota {dimensions = array<i32: 0>} : vector<32x8xi32>
    %reduce_max3A_222 = arith.constant dense<0xFF800000> : vector<8xf32>
    %reduce_max3A_223 = vector.multi_reduction <maximumf>, %concatenate3A_220, %reduce_max3A_222 [0] : vector<32x8xf32> to vector<8xf32>
    %broadcast_in_dim3A_224 = vector.shape_cast %reduce_max3A_223 : vector<8xf32> to vector<1x8xf32>
    %eq3A_225 = vector.broadcast %broadcast_in_dim3A_224 : vector<1x8xf32> to vector<32x8xf32>
    %eq3A_226 = arith.cmpf oeq, %concatenate3A_220, %eq3A_225 : vector<32x8xf32>
    %jit3A_227 = arith.constant 32 : i32
    %broadcast_in_dim3A_228 = vector.broadcast %jit3A_227 : i32 to vector<32x8xi32>
    %select_n3A_229 = arith.select %eq3A_226, %iota3A_221, %broadcast_in_dim3A_228 : vector<32x8xi1>, vector<32x8xi32>
    %reduce_min3A_230 = arith.constant dense<2147483647> : vector<8xi32>
    %reduce_min3A_231 = vector.multi_reduction <minsi>, %select_n3A_229, %reduce_min3A_230 [0] : vector<32x8xi32> to vector<8xi32>
    %broadcast_in_dim3A_232 = vector.shape_cast %reduce_min3A_231 : vector<8xi32> to vector<1x8xi32>
    %swap3A_233 = arith.constant 0 : index
    %swap3A_234 = arith.constant 0 : index
    %swap3A_235 = vector.load %arg5[%swap3A_233, %swap3A_234] : memref<16x8xi32, #tpu.memory_space<vmem>>, vector<1x8xi32>
    tpu.vector_store %arg5[%swap3A_233, %swap3A_234], %broadcast_in_dim3A_232 {strides = array<i32>} : memref<16x8xi32, #tpu.memory_space<vmem>>, vector<1x8xi32>,
    %eq3A_236 = vector.broadcast %broadcast_in_dim3A_232 : vector<1x8xi32> to vector<32x8xi32>
    %eq3A_237 = arith.cmpi eq, %iota3A_221, %eq3A_236 : vector<32x8xi32>
    %jit3A_238 = arith.constant 0xFF800000 : f32
    %broadcast_in_dim3A_239 = vector.broadcast %jit3A_238 : f32 to vector<32x8xf32>
    %select_n3A_240 = arith.select %eq3A_237, %broadcast_in_dim3A_239, %concatenate3A_220 : vector<32x8xi1>, vector<32x8xf32>
    %reduce_max3A_241 = arith.constant dense<0xFF800000> : vector<8xf32>
    %reduce_max3A_242 = vector.multi_reduction <maximumf>, %select_n3A_240, %reduce_max3A_241 [0] : vector<32x8xf32> to vector<8xf32>
    %broadcast_in_dim3A_243 = vector.shape_cast %reduce_max3A_242 : vector<8xf32> to vector<1x8xf32>
    %eq3A_244 = vector.broadcast %broadcast_in_dim3A_243 : vector<1x8xf32> to vector<32x8xf32>
    %eq3A_245 = arith.cmpf oeq, %select_n3A_240, %eq3A_244 : vector<32x8xf32>
    %jit3A_246 = arith.constant 32 : i32
    %broadcast_in_dim3A_247 = vector.broadcast %jit3A_246 : i32 to vector<32x8xi32>
    %select_n3A_248 = arith.select %eq3A_245, %iota3A_221, %broadcast_in_dim3A_247 : vector<32x8xi1>, vector<32x8xi32>
    %reduce_min3A_249 = arith.constant dense<2147483647> : vector<8xi32>
    %reduce_min3A_250 = vector.multi_reduction <minsi>, %select_n3A_248, %reduce_min3A_249 [0] : vector<32x8xi32> to vector<8xi32>
    %broadcast_in_dim3A_251 = vector.shape_cast %reduce_min3A_250 : vector<8xi32> to vector<1x8xi32>
    %swap3A_252 = arith.constant 1 : index
    %swap3A_253 = arith.constant 0 : index
    %swap3A_254 = vector.load %arg5[%swap3A_252, %swap3A_253] : memref<16x8xi32, #tpu.memory_space<vmem>>, vector<1x8xi32>
    tpu.vector_store %arg5[%swap3A_252, %swap3A_253], %broadcast_in_dim3A_251 {strides = array<i32>} : memref<16x8xi32, #tpu.memory_space<vmem>>, vector<1x8xi32>,
    %eq3A_255 = vector.broadcast %broadcast_in_dim3A_251 : vector<1x8xi32> to vector<32x8xi32>
    %eq3A_256 = arith.cmpi eq, %iota3A_221, %eq3A_255 : vector<32x8xi32>
    %jit3A_257 = arith.constant 0xFF800000 : f32
    %broadcast_in_dim3A_258 = vector.broadcast %jit3A_257 : f32 to vector<32x8xf32>
    %select_n3A_259 = arith.select %eq3A_256, %broadcast_in_dim3A_258, %select_n3A_240 : vector<32x8xi1>, vector<32x8xf32>
    %reduce_max3A_260 = arith.constant dense<0xFF800000> : vector<8xf32>
    %reduce_max3A_261 = vector.multi_reduction <maximumf>, %select_n3A_259, %reduce_max3A_260 [0] : vector<32x8xf32> to vector<8xf32>
    %broadcast_in_dim3A_262 = vector.shape_cast %reduce_max3A_261 : vector<8xf32> to vector<1x8xf32>
    %eq3A_263 = vector.broadcast %broadcast_in_dim3A_262 : vector<1x8xf32> to vector<32x8xf32>
    %eq3A_264 = arith.cmpf oeq, %select_n3A_259, %eq3A_263 : vector<32x8xf32>
    %jit3A_265 = arith.constant 32 : i32
    %broadcast_in_dim3A_266 = vector.broadcast %jit3A_265 : i32 to vector<32x8xi32>
    %select_n3A_267 = arith.select %eq3A_264, %iota3A_221, %broadcast_in_dim3A_266 : vector<32x8xi1>, vector<32x8xi32>
    %reduce_min3A_268 = arith.constant dense<2147483647> : vector<8xi32>
    %reduce_min3A_269 = vector.multi_reduction <minsi>, %select_n3A_267, %reduce_min3A_268 [0] : vector<32x8xi32> to vector<8xi32>
    %broadcast_in_dim3A_270 = vector.shape_cast %reduce_min3A_269 : vector<8xi32> to vector<1x8xi32>
    %swap3A_271 = arith.constant 2 : index
    %swap3A_272 = arith.constant 0 : index
    %swap3A_273 = vector.load %arg5[%swap3A_271, %swap3A_272] : memref<16x8xi32, #tpu.memory_space<vmem>>, vector<1x8xi32>
    tpu.vector_store %arg5[%swap3A_271, %swap3A_272], %broadcast_in_dim3A_270 {strides = array<i32>} : memref<16x8xi32, #tpu.memory_space<vmem>>, vector<1x8xi32>,
    %eq3A_274 = vector.broadcast %broadcast_in_dim3A_270 : vector<1x8xi32> to vector<32x8xi32>
    %eq3A_275 = arith.cmpi eq, %iota3A_221, %eq3A_274 : vector<32x8xi32>
    %jit3A_276 = arith.constant 0xFF800000 : f32
    %broadcast_in_dim3A_277 = vector.broadcast %jit3A_276 : f32 to vector<32x8xf32>
    %select_n3A_278 = arith.select %eq3A_275, %broadcast_in_dim3A_277, %select_n3A_259 : vector<32x8xi1>, vector<32x8xf32>
    %reduce_max3A_279 = arith.constant dense<0xFF800000> : vector<8xf32>
    %reduce_max3A_280 = vector.multi_reduction <maximumf>, %select_n3A_278, %reduce_max3A_279 [0] : vector<32x8xf32> to vector<8xf32>
    %broadcast_in_dim3A_281 = vector.shape_cast %reduce_max3A_280 : vector<8xf32> to vector<1x8xf32>
    %eq3A_282 = vector.broadcast %broadcast_in_dim3A_281 : vector<1x8xf32> to vector<32x8xf32>
    %eq3A_283 = arith.cmpf oeq, %select_n3A_278, %eq3A_282 : vector<32x8xf32>
    %jit3A_284 = arith.constant 32 : i32
    %broadcast_in_dim3A_285 = vector.broadcast %jit3A_284 : i32 to vector<32x8xi32>
    %select_n3A_286 = arith.select %eq3A_283, %iota3A_221, %broadcast_in_dim3A_285 : vector<32x8xi1>, vector<32x8xi32>
    %reduce_min3A_287 = arith.constant dense<2147483647> : vector<8xi32>
    %reduce_min3A_288 = vector.multi_reduction <minsi>, %select_n3A_286, %reduce_min3A_287 [0] : vector<32x8xi32> to vector<8xi32>
    %broadcast_in_dim3A_289 = vector.shape_cast %reduce_min3A_288 : vector<8xi32> to vector<1x8xi32>
    %swap3A_290 = arith.constant 3 : index
    %swap3A_291 = arith.constant 0 : index
    %swap3A_292 = vector.load %arg5[%swap3A_290, %swap3A_291] : memref<16x8xi32, #tpu.memory_space<vmem>>, vector<1x8xi32>
    tpu.vector_store %arg5[%swap3A_290, %swap3A_291], %broadcast_in_dim3A_289 {strides = array<i32>} : memref<16x8xi32, #tpu.memory_space<vmem>>, vector<1x8xi32>,
    %eq3A_293 = vector.broadcast %broadcast_in_dim3A_289 : vector<1x8xi32> to vector<32x8xi32>
    %eq3A_294 = arith.cmpi eq, %iota3A_221, %eq3A_293 : vector<32x8xi32>
    %jit3A_295 = arith.constant 0xFF800000 : f32
    %broadcast_in_dim3A_296 = vector.broadcast %jit3A_295 : f32 to vector<32x8xf32>
    %select_n3A_297 = arith.select %eq3A_294, %broadcast_in_dim3A_296, %select_n3A_278 : vector<32x8xi1>, vector<32x8xf32>
    %reduce_max3A_298 = arith.constant dense<0xFF800000> : vector<8xf32>
    %reduce_max3A_299 = vector.multi_reduction <maximumf>, %select_n3A_297, %reduce_max3A_298 [0] : vector<32x8xf32> to vector<8xf32>
    %broadcast_in_dim3A_300 = vector.shape_cast %reduce_max3A_299 : vector<8xf32> to vector<1x8xf32>
    %eq3A_301 = vector.broadcast %broadcast_in_dim3A_300 : vector<1x8xf32> to vector<32x8xf32>
    %eq3A_302 = arith.cmpf oeq, %select_n3A_297, %eq3A_301 : vector<32x8xf32>
    %jit3A_303 = arith.constant 32 : i32
    %broadcast_in_dim3A_304 = vector.broadcast %jit3A_303 : i32 to vector<32x8xi32>
    %select_n3A_305 = arith.select %eq3A_302, %iota3A_221, %broadcast_in_dim3A_304 : vector<32x8xi1>, vector<32x8xi32>
    %reduce_min3A_306 = arith.constant dense<2147483647> : vector<8xi32>
    %reduce_min3A_307 = vector.multi_reduction <minsi>, %select_n3A_305, %reduce_min3A_306 [0] : vector<32x8xi32> to vector<8xi32>
    %broadcast_in_dim3A_308 = vector.shape_cast %reduce_min3A_307 : vector<8xi32> to vector<1x8xi32>
    %swap3A_309 = arith.constant 4 : index
    %swap3A_310 = arith.constant 0 : index
    %swap3A_311 = vector.load %arg5[%swap3A_309, %swap3A_310] : memref<16x8xi32, #tpu.memory_space<vmem>>, vector<1x8xi32>
    tpu.vector_store %arg5[%swap3A_309, %swap3A_310], %broadcast_in_dim3A_308 {strides = array<i32>} : memref<16x8xi32, #tpu.memory_space<vmem>>, vector<1x8xi32>,
    %eq3A_312 = vector.broadcast %broadcast_in_dim3A_308 : vector<1x8xi32> to vector<32x8xi32>
    %eq3A_313 = arith.cmpi eq, %iota3A_221, %eq3A_312 : vector<32x8xi32>
    %jit3A_314 = arith.constant 0xFF800000 : f32
    %broadcast_in_dim3A_315 = vector.broadcast %jit3A_314 : f32 to vector<32x8xf32>
    %select_n3A_316 = arith.select %eq3A_313, %broadcast_in_dim3A_315, %select_n3A_297 : vector<32x8xi1>, vector<32x8xf32>
    %reduce_max3A_317 = arith.constant dense<0xFF800000> : vector<8xf32>
    %reduce_max3A_318 = vector.multi_reduction <maximumf>, %select_n3A_316, %reduce_max3A_317 [0] : vector<32x8xf32> to vector<8xf32>
    %broadcast_in_dim3A_319 = vector.shape_cast %reduce_max3A_318 : vector<8xf32> to vector<1x8xf32>
    %eq3A_320 = vector.broadcast %broadcast_in_dim3A_319 : vector<1x8xf32> to vector<32x8xf32>
    %eq3A_321 = arith.cmpf oeq, %select_n3A_316, %eq3A_320 : vector<32x8xf32>
    %jit3A_322 = arith.constant 32 : i32
    %broadcast_in_dim3A_323 = vector.broadcast %jit3A_322 : i32 to vector<32x8xi32>
    %select_n3A_324 = arith.select %eq3A_321, %iota3A_221, %broadcast_in_dim3A_323 : vector<32x8xi1>, vector<32x8xi32>
    %reduce_min3A_325 = arith.constant dense<2147483647> : vector<8xi32>
    %reduce_min3A_326 = vector.multi_reduction <minsi>, %select_n3A_324, %reduce_min3A_325 [0] : vector<32x8xi32> to vector<8xi32>
    %broadcast_in_dim3A_327 = vector.shape_cast %reduce_min3A_326 : vector<8xi32> to vector<1x8xi32>
    %swap3A_328 = arith.constant 5 : index
    %swap3A_329 = arith.constant 0 : index
    %swap3A_330 = vector.load %arg5[%swap3A_328, %swap3A_329] : memref<16x8xi32, #tpu.memory_space<vmem>>, vector<1x8xi32>
    tpu.vector_store %arg5[%swap3A_328, %swap3A_329], %broadcast_in_dim3A_327 {strides = array<i32>} : memref<16x8xi32, #tpu.memory_space<vmem>>, vector<1x8xi32>,
    %eq3A_331 = vector.broadcast %broadcast_in_dim3A_327 : vector<1x8xi32> to vector<32x8xi32>
    %eq3A_332 = arith.cmpi eq, %iota3A_221, %eq3A_331 : vector<32x8xi32>
    %jit3A_333 = arith.constant 0xFF800000 : f32
    %broadcast_in_dim3A_334 = vector.broadcast %jit3A_333 : f32 to vector<32x8xf32>
    %select_n3A_335 = arith.select %eq3A_332, %broadcast_in_dim3A_334, %select_n3A_316 : vector<32x8xi1>, vector<32x8xf32>
    %reduce_max3A_336 = arith.constant dense<0xFF800000> : vector<8xf32>
    %reduce_max3A_337 = vector.multi_reduction <maximumf>, %select_n3A_335, %reduce_max3A_336 [0] : vector<32x8xf32> to vector<8xf32>
    %broadcast_in_dim3A_338 = vector.shape_cast %reduce_max3A_337 : vector<8xf32> to vector<1x8xf32>
    %eq3A_339 = vector.broadcast %broadcast_in_dim3A_338 : vector<1x8xf32> to vector<32x8xf32>
    %eq3A_340 = arith.cmpf oeq, %select_n3A_335, %eq3A_339 : vector<32x8xf32>
    %jit3A_341 = arith.constant 32 : i32
    %broadcast_in_dim3A_342 = vector.broadcast %jit3A_341 : i32 to vector<32x8xi32>
    %select_n3A_343 = arith.select %eq3A_340, %iota3A_221, %broadcast_in_dim3A_342 : vector<32x8xi1>, vector<32x8xi32>
    %reduce_min3A_344 = arith.constant dense<2147483647> : vector<8xi32>
    %reduce_min3A_345 = vector.multi_reduction <minsi>, %select_n3A_343, %reduce_min3A_344 [0] : vector<32x8xi32> to vector<8xi32>
    %broadcast_in_dim3A_346 = vector.shape_cast %reduce_min3A_345 : vector<8xi32> to vector<1x8xi32>
    %swap3A_347 = arith.constant 6 : index
    %swap3A_348 = arith.constant 0 : index
    %swap3A_349 = vector.load %arg5[%swap3A_347, %swap3A_348] : memref<16x8xi32, #tpu.memory_space<vmem>>, vector<1x8xi32>
    tpu.vector_store %arg5[%swap3A_347, %swap3A_348], %broadcast_in_dim3A_346 {strides = array<i32>} : memref<16x8xi32, #tpu.memory_space<vmem>>, vector<1x8xi32>,
    %eq3A_350 = vector.broadcast %broadcast_in_dim3A_346 : vector<1x8xi32> to vector<32x8xi32>
    %eq3A_351 = arith.cmpi eq, %iota3A_221, %eq3A_350 : vector<32x8xi32>
    %jit3A_352 = arith.constant 0xFF800000 : f32
    %broadcast_in_dim3A_353 = vector.broadcast %jit3A_352 : f32 to vector<32x8xf32>
    %select_n3A_354 = arith.select %eq3A_351, %broadcast_in_dim3A_353, %select_n3A_335 : vector<32x8xi1>, vector<32x8xf32>
    %reduce_max3A_355 = arith.constant dense<0xFF800000> : vector<8xf32>
    %reduce_max3A_356 = vector.multi_reduction <maximumf>, %select_n3A_354, %reduce_max3A_355 [0] : vector<32x8xf32> to vector<8xf32>
    %broadcast_in_dim3A_357 = vector.shape_cast %reduce_max3A_356 : vector<8xf32> to vector<1x8xf32>
    %eq3A_358 = vector.broadcast %broadcast_in_dim3A_357 : vector<1x8xf32> to vector<32x8xf32>
    %eq3A_359 = arith.cmpf oeq, %select_n3A_354, %eq3A_358 : vector<32x8xf32>
    %jit3A_360 = arith.constant 32 : i32
    %broadcast_in_dim3A_361 = vector.broadcast %jit3A_360 : i32 to vector<32x8xi32>
    %select_n3A_362 = arith.select %eq3A_359, %iota3A_221, %broadcast_in_dim3A_361 : vector<32x8xi1>, vector<32x8xi32>
    %reduce_min3A_363 = arith.constant dense<2147483647> : vector<8xi32>
    %reduce_min3A_364 = vector.multi_reduction <minsi>, %select_n3A_362, %reduce_min3A_363 [0] : vector<32x8xi32> to vector<8xi32>
    %broadcast_in_dim3A_365 = vector.shape_cast %reduce_min3A_364 : vector<8xi32> to vector<1x8xi32>
    %swap3A_366 = arith.constant 7 : index
    %swap3A_367 = arith.constant 0 : index
    %swap3A_368 = vector.load %arg5[%swap3A_366, %swap3A_367] : memref<16x8xi32, #tpu.memory_space<vmem>>, vector<1x8xi32>
    tpu.vector_store %arg5[%swap3A_366, %swap3A_367], %broadcast_in_dim3A_365 {strides = array<i32>} : memref<16x8xi32, #tpu.memory_space<vmem>>, vector<1x8xi32>,
    %eq3A_369 = vector.broadcast %broadcast_in_dim3A_365 : vector<1x8xi32> to vector<32x8xi32>
    %eq3A_370 = arith.cmpi eq, %iota3A_221, %eq3A_369 : vector<32x8xi32>
    %jit3A_371 = arith.constant 0xFF800000 : f32
    %broadcast_in_dim3A_372 = vector.broadcast %jit3A_371 : f32 to vector<32x8xf32>
    %select_n3A_373 = arith.select %eq3A_370, %broadcast_in_dim3A_372, %select_n3A_354 : vector<32x8xi1>, vector<32x8xf32>
    %reduce_max3A_374 = arith.constant dense<0xFF800000> : vector<8xf32>
    %reduce_max3A_375 = vector.multi_reduction <maximumf>, %select_n3A_373, %reduce_max3A_374 [0] : vector<32x8xf32> to vector<8xf32>
    %broadcast_in_dim3A_376 = vector.shape_cast %reduce_max3A_375 : vector<8xf32> to vector<1x8xf32>
    %eq3A_377 = vector.broadcast %broadcast_in_dim3A_376 : vector<1x8xf32> to vector<32x8xf32>
    %eq3A_378 = arith.cmpf oeq, %select_n3A_373, %eq3A_377 : vector<32x8xf32>
    %jit3A_379 = arith.constant 32 : i32
    %broadcast_in_dim3A_380 = vector.broadcast %jit3A_379 : i32 to vector<32x8xi32>
    %select_n3A_381 = arith.select %eq3A_378, %iota3A_221, %broadcast_in_dim3A_380 : vector<32x8xi1>, vector<32x8xi32>
    %reduce_min3A_382 = arith.constant dense<2147483647> : vector<8xi32>
    %reduce_min3A_383 = vector.multi_reduction <minsi>, %select_n3A_381, %reduce_min3A_382 [0] : vector<32x8xi32> to vector<8xi32>
    %broadcast_in_dim3A_384 = vector.shape_cast %reduce_min3A_383 : vector<8xi32> to vector<1x8xi32>
    %swap3A_385 = arith.constant 8 : index
    %swap3A_386 = arith.constant 0 : index
    %swap3A_387 = vector.load %arg5[%swap3A_385, %swap3A_386] : memref<16x8xi32, #tpu.memory_space<vmem>>, vector<1x8xi32>
    tpu.vector_store %arg5[%swap3A_385, %swap3A_386], %broadcast_in_dim3A_384 {strides = array<i32>} : memref<16x8xi32, #tpu.memory_space<vmem>>, vector<1x8xi32>,
    %eq3A_388 = vector.broadcast %broadcast_in_dim3A_384 : vector<1x8xi32> to vector<32x8xi32>
    %eq3A_389 = arith.cmpi eq, %iota3A_221, %eq3A_388 : vector<32x8xi32>
    %jit3A_390 = arith.constant 0xFF800000 : f32
    %broadcast_in_dim3A_391 = vector.broadcast %jit3A_390 : f32 to vector<32x8xf32>
    %select_n3A_392 = arith.select %eq3A_389, %broadcast_in_dim3A_391, %select_n3A_373 : vector<32x8xi1>, vector<32x8xf32>
    %reduce_max3A_393 = arith.constant dense<0xFF800000> : vector<8xf32>
    %reduce_max3A_394 = vector.multi_reduction <maximumf>, %select_n3A_392, %reduce_max3A_393 [0] : vector<32x8xf32> to vector<8xf32>
    %broadcast_in_dim3A_395 = vector.shape_cast %reduce_max3A_394 : vector<8xf32> to vector<1x8xf32>
    %eq3A_396 = vector.broadcast %broadcast_in_dim3A_395 : vector<1x8xf32> to vector<32x8xf32>
    %eq3A_397 = arith.cmpf oeq, %select_n3A_392, %eq3A_396 : vector<32x8xf32>
    %jit3A_398 = arith.constant 32 : i32
    %broadcast_in_dim3A_399 = vector.broadcast %jit3A_398 : i32 to vector<32x8xi32>
    %select_n3A_400 = arith.select %eq3A_397, %iota3A_221, %broadcast_in_dim3A_399 : vector<32x8xi1>, vector<32x8xi32>
    %reduce_min3A_401 = arith.constant dense<2147483647> : vector<8xi32>
    %reduce_min3A_402 = vector.multi_reduction <minsi>, %select_n3A_400, %reduce_min3A_401 [0] : vector<32x8xi32> to vector<8xi32>
    %broadcast_in_dim3A_403 = vector.shape_cast %reduce_min3A_402 : vector<8xi32> to vector<1x8xi32>
    %swap3A_404 = arith.constant 9 : index
    %swap3A_405 = arith.constant 0 : index
    %swap3A_406 = vector.load %arg5[%swap3A_404, %swap3A_405] : memref<16x8xi32, #tpu.memory_space<vmem>>, vector<1x8xi32>
    tpu.vector_store %arg5[%swap3A_404, %swap3A_405], %broadcast_in_dim3A_403 {strides = array<i32>} : memref<16x8xi32, #tpu.memory_space<vmem>>, vector<1x8xi32>,
    %eq3A_407 = vector.broadcast %broadcast_in_dim3A_403 : vector<1x8xi32> to vector<32x8xi32>
    %eq3A_408 = arith.cmpi eq, %iota3A_221, %eq3A_407 : vector<32x8xi32>
    %jit3A_409 = arith.constant 0xFF800000 : f32
    %broadcast_in_dim3A_410 = vector.broadcast %jit3A_409 : f32 to vector<32x8xf32>
    %select_n3A_411 = arith.select %eq3A_408, %broadcast_in_dim3A_410, %select_n3A_392 : vector<32x8xi1>, vector<32x8xf32>
    %reduce_max3A_412 = arith.constant dense<0xFF800000> : vector<8xf32>
    %reduce_max3A_413 = vector.multi_reduction <maximumf>, %select_n3A_411, %reduce_max3A_412 [0] : vector<32x8xf32> to vector<8xf32>
    %broadcast_in_dim3A_414 = vector.shape_cast %reduce_max3A_413 : vector<8xf32> to vector<1x8xf32>
    %eq3A_415 = vector.broadcast %broadcast_in_dim3A_414 : vector<1x8xf32> to vector<32x8xf32>
    %eq3A_416 = arith.cmpf oeq, %select_n3A_411, %eq3A_415 : vector<32x8xf32>
    %jit3A_417 = arith.constant 32 : i32
    %broadcast_in_dim3A_418 = vector.broadcast %jit3A_417 : i32 to vector<32x8xi32>
    %select_n3A_419 = arith.select %eq3A_416, %iota3A_221, %broadcast_in_dim3A_418 : vector<32x8xi1>, vector<32x8xi32>
    %reduce_min3A_420 = arith.constant dense<2147483647> : vector<8xi32>
    %reduce_min3A_421 = vector.multi_reduction <minsi>, %select_n3A_419, %reduce_min3A_420 [0] : vector<32x8xi32> to vector<8xi32>
    %broadcast_in_dim3A_422 = vector.shape_cast %reduce_min3A_421 : vector<8xi32> to vector<1x8xi32>
    %swap3A_423 = arith.constant 10 : index
    %swap3A_424 = arith.constant 0 : index
    %swap3A_425 = vector.load %arg5[%swap3A_423, %swap3A_424] : memref<16x8xi32, #tpu.memory_space<vmem>>, vector<1x8xi32>
    tpu.vector_store %arg5[%swap3A_423, %swap3A_424], %broadcast_in_dim3A_422 {strides = array<i32>} : memref<16x8xi32, #tpu.memory_space<vmem>>, vector<1x8xi32>,
    %eq3A_426 = vector.broadcast %broadcast_in_dim3A_422 : vector<1x8xi32> to vector<32x8xi32>
    %eq3A_427 = arith.cmpi eq, %iota3A_221, %eq3A_426 : vector<32x8xi32>
    %jit3A_428 = arith.constant 0xFF800000 : f32
    %broadcast_in_dim3A_429 = vector.broadcast %jit3A_428 : f32 to vector<32x8xf32>
    %select_n3A_430 = arith.select %eq3A_427, %broadcast_in_dim3A_429, %select_n3A_411 : vector<32x8xi1>, vector<32x8xf32>
    %reduce_max3A_431 = arith.constant dense<0xFF800000> : vector<8xf32>
    %reduce_max3A_432 = vector.multi_reduction <maximumf>, %select_n3A_430, %reduce_max3A_431 [0] : vector<32x8xf32> to vector<8xf32>
    %broadcast_in_dim3A_433 = vector.shape_cast %reduce_max3A_432 : vector<8xf32> to vector<1x8xf32>
    %eq3A_434 = vector.broadcast %broadcast_in_dim3A_433 : vector<1x8xf32> to vector<32x8xf32>
    %eq3A_435 = arith.cmpf oeq, %select_n3A_430, %eq3A_434 : vector<32x8xf32>
    %jit3A_436 = arith.constant 32 : i32
    %broadcast_in_dim3A_437 = vector.broadcast %jit3A_436 : i32 to vector<32x8xi32>
    %select_n3A_438 = arith.select %eq3A_435, %iota3A_221, %broadcast_in_dim3A_437 : vector<32x8xi1>, vector<32x8xi32>
    %reduce_min3A_439 = arith.constant dense<2147483647> : vector<8xi32>
    %reduce_min3A_440 = vector.multi_reduction <minsi>, %select_n3A_438, %reduce_min3A_439 [0] : vector<32x8xi32> to vector<8xi32>
    %broadcast_in_dim3A_441 = vector.shape_cast %reduce_min3A_440 : vector<8xi32> to vector<1x8xi32>
    %swap3A_442 = arith.constant 11 : index
    %swap3A_443 = arith.constant 0 : index
    %swap3A_444 = vector.load %arg5[%swap3A_442, %swap3A_443] : memref<16x8xi32, #tpu.memory_space<vmem>>, vector<1x8xi32>
    tpu.vector_store %arg5[%swap3A_442, %swap3A_443], %broadcast_in_dim3A_441 {strides = array<i32>} : memref<16x8xi32, #tpu.memory_space<vmem>>, vector<1x8xi32>,
    %eq3A_445 = vector.broadcast %broadcast_in_dim3A_441 : vector<1x8xi32> to vector<32x8xi32>
    %eq3A_446 = arith.cmpi eq, %iota3A_221, %eq3A_445 : vector<32x8xi32>
    %jit3A_447 = arith.constant 0xFF800000 : f32
    %broadcast_in_dim3A_448 = vector.broadcast %jit3A_447 : f32 to vector<32x8xf32>
    %select_n3A_449 = arith.select %eq3A_446, %broadcast_in_dim3A_448, %select_n3A_430 : vector<32x8xi1>, vector<32x8xf32>
    %reduce_max3A_450 = arith.constant dense<0xFF800000> : vector<8xf32>
    %reduce_max3A_451 = vector.multi_reduction <maximumf>, %select_n3A_449, %reduce_max3A_450 [0] : vector<32x8xf32> to vector<8xf32>
    %broadcast_in_dim3A_452 = vector.shape_cast %reduce_max3A_451 : vector<8xf32> to vector<1x8xf32>
    %eq3A_453 = vector.broadcast %broadcast_in_dim3A_452 : vector<1x8xf32> to vector<32x8xf32>
    %eq3A_454 = arith.cmpf oeq, %select_n3A_449, %eq3A_453 : vector<32x8xf32>
    %jit3A_455 = arith.constant 32 : i32
    %broadcast_in_dim3A_456 = vector.broadcast %jit3A_455 : i32 to vector<32x8xi32>
    %select_n3A_457 = arith.select %eq3A_454, %iota3A_221, %broadcast_in_dim3A_456 : vector<32x8xi1>, vector<32x8xi32>
    %reduce_min3A_458 = arith.constant dense<2147483647> : vector<8xi32>
    %reduce_min3A_459 = vector.multi_reduction <minsi>, %select_n3A_457, %reduce_min3A_458 [0] : vector<32x8xi32> to vector<8xi32>
    %broadcast_in_dim3A_460 = vector.shape_cast %reduce_min3A_459 : vector<8xi32> to vector<1x8xi32>
    %swap3A_461 = arith.constant 12 : index
    %swap3A_462 = arith.constant 0 : index
    %swap3A_463 = vector.load %arg5[%swap3A_461, %swap3A_462] : memref<16x8xi32, #tpu.memory_space<vmem>>, vector<1x8xi32>
    tpu.vector_store %arg5[%swap3A_461, %swap3A_462], %broadcast_in_dim3A_460 {strides = array<i32>} : memref<16x8xi32, #tpu.memory_space<vmem>>, vector<1x8xi32>,
    %eq3A_464 = vector.broadcast %broadcast_in_dim3A_460 : vector<1x8xi32> to vector<32x8xi32>
    %eq3A_465 = arith.cmpi eq, %iota3A_221, %eq3A_464 : vector<32x8xi32>
    %jit3A_466 = arith.constant 0xFF800000 : f32
    %broadcast_in_dim3A_467 = vector.broadcast %jit3A_466 : f32 to vector<32x8xf32>
    %select_n3A_468 = arith.select %eq3A_465, %broadcast_in_dim3A_467, %select_n3A_449 : vector<32x8xi1>, vector<32x8xf32>
    %reduce_max3A_469 = arith.constant dense<0xFF800000> : vector<8xf32>
    %reduce_max3A_470 = vector.multi_reduction <maximumf>, %select_n3A_468, %reduce_max3A_469 [0] : vector<32x8xf32> to vector<8xf32>
    %broadcast_in_dim3A_471 = vector.shape_cast %reduce_max3A_470 : vector<8xf32> to vector<1x8xf32>
    %eq3A_472 = vector.broadcast %broadcast_in_dim3A_471 : vector<1x8xf32> to vector<32x8xf32>
    %eq3A_473 = arith.cmpf oeq, %select_n3A_468, %eq3A_472 : vector<32x8xf32>
    %jit3A_474 = arith.constant 32 : i32
    %broadcast_in_dim3A_475 = vector.broadcast %jit3A_474 : i32 to vector<32x8xi32>
    %select_n3A_476 = arith.select %eq3A_473, %iota3A_221, %broadcast_in_dim3A_475 : vector<32x8xi1>, vector<32x8xi32>
    %reduce_min3A_477 = arith.constant dense<2147483647> : vector<8xi32>
    %reduce_min3A_478 = vector.multi_reduction <minsi>, %select_n3A_476, %reduce_min3A_477 [0] : vector<32x8xi32> to vector<8xi32>
    %broadcast_in_dim3A_479 = vector.shape_cast %reduce_min3A_478 : vector<8xi32> to vector<1x8xi32>
    %swap3A_480 = arith.constant 13 : index
    %swap3A_481 = arith.constant 0 : index
    %swap3A_482 = vector.load %arg5[%swap3A_480, %swap3A_481] : memref<16x8xi32, #tpu.memory_space<vmem>>, vector<1x8xi32>
    tpu.vector_store %arg5[%swap3A_480, %swap3A_481], %broadcast_in_dim3A_479 {strides = array<i32>} : memref<16x8xi32, #tpu.memory_space<vmem>>, vector<1x8xi32>,
    %eq3A_483 = vector.broadcast %broadcast_in_dim3A_479 : vector<1x8xi32> to vector<32x8xi32>
    %eq3A_484 = arith.cmpi eq, %iota3A_221, %eq3A_483 : vector<32x8xi32>
    %jit3A_485 = arith.constant 0xFF800000 : f32
    %broadcast_in_dim3A_486 = vector.broadcast %jit3A_485 : f32 to vector<32x8xf32>
    %select_n3A_487 = arith.select %eq3A_484, %broadcast_in_dim3A_486, %select_n3A_468 : vector<32x8xi1>, vector<32x8xf32>
    %reduce_max3A_488 = arith.constant dense<0xFF800000> : vector<8xf32>
    %reduce_max3A_489 = vector.multi_reduction <maximumf>, %select_n3A_487, %reduce_max3A_488 [0] : vector<32x8xf32> to vector<8xf32>
    %broadcast_in_dim3A_490 = vector.shape_cast %reduce_max3A_489 : vector<8xf32> to vector<1x8xf32>
    %eq3A_491 = vector.broadcast %broadcast_in_dim3A_490 : vector<1x8xf32> to vector<32x8xf32>
    %eq3A_492 = arith.cmpf oeq, %select_n3A_487, %eq3A_491 : vector<32x8xf32>
    %jit3A_493 = arith.constant 32 : i32
    %broadcast_in_dim3A_494 = vector.broadcast %jit3A_493 : i32 to vector<32x8xi32>
    %select_n3A_495 = arith.select %eq3A_492, %iota3A_221, %broadcast_in_dim3A_494 : vector<32x8xi1>, vector<32x8xi32>
    %reduce_min3A_496 = arith.constant dense<2147483647> : vector<8xi32>
    %reduce_min3A_497 = vector.multi_reduction <minsi>, %select_n3A_495, %reduce_min3A_496 [0] : vector<32x8xi32> to vector<8xi32>
    %broadcast_in_dim3A_498 = vector.shape_cast %reduce_min3A_497 : vector<8xi32> to vector<1x8xi32>
    %swap3A_499 = arith.constant 14 : index
    %swap3A_500 = arith.constant 0 : index
    %swap3A_501 = vector.load %arg5[%swap3A_499, %swap3A_500] : memref<16x8xi32, #tpu.memory_space<vmem>>, vector<1x8xi32>
    tpu.vector_store %arg5[%swap3A_499, %swap3A_500], %broadcast_in_dim3A_498 {strides = array<i32>} : memref<16x8xi32, #tpu.memory_space<vmem>>, vector<1x8xi32>,
    %eq3A_502 = vector.broadcast %broadcast_in_dim3A_498 : vector<1x8xi32> to vector<32x8xi32>
    %eq3A_503 = arith.cmpi eq, %iota3A_221, %eq3A_502 : vector<32x8xi32>
    %jit3A_504 = arith.constant 0xFF800000 : f32
    %broadcast_in_dim3A_505 = vector.broadcast %jit3A_504 : f32 to vector<32x8xf32>
    %select_n3A_506 = arith.select %eq3A_503, %broadcast_in_dim3A_505, %select_n3A_487 : vector<32x8xi1>, vector<32x8xf32>
    %reduce_max3A_507 = arith.constant dense<0xFF800000> : vector<8xf32>
    %reduce_max3A_508 = vector.multi_reduction <maximumf>, %select_n3A_506, %reduce_max3A_507 [0] : vector<32x8xf32> to vector<8xf32>
    %broadcast_in_dim3A_509 = vector.shape_cast %reduce_max3A_508 : vector<8xf32> to vector<1x8xf32>
    %eq3A_510 = vector.broadcast %broadcast_in_dim3A_509 : vector<1x8xf32> to vector<32x8xf32>
    %eq3A_511 = arith.cmpf oeq, %select_n3A_506, %eq3A_510 : vector<32x8xf32>
    %jit3A_512 = arith.constant 32 : i32
    %broadcast_in_dim3A_513 = vector.broadcast %jit3A_512 : i32 to vector<32x8xi32>
    %select_n3A_514 = arith.select %eq3A_511, %iota3A_221, %broadcast_in_dim3A_513 : vector<32x8xi1>, vector<32x8xi32>
    %reduce_min3A_515 = arith.constant dense<2147483647> : vector<8xi32>
    %reduce_min3A_516 = vector.multi_reduction <minsi>, %select_n3A_514, %reduce_min3A_515 [0] : vector<32x8xi32> to vector<8xi32>
    %broadcast_in_dim3A_517 = vector.shape_cast %reduce_min3A_516 : vector<8xi32> to vector<1x8xi32>
    %swap3A_518 = arith.constant 15 : index
    %swap3A_519 = arith.constant 0 : index
    %swap3A_520 = vector.load %arg5[%swap3A_518, %swap3A_519] : memref<16x8xi32, #tpu.memory_space<vmem>>, vector<1x8xi32>
    tpu.vector_store %arg5[%swap3A_518, %swap3A_519], %broadcast_in_dim3A_517 {strides = array<i32>} : memref<16x8xi32, #tpu.memory_space<vmem>>, vector<1x8xi32>,
    %get3A_521 = arith.constant 0 : index
    %get3A_522 = arith.constant 0 : index
    %get3A_523 = vector.load %arg3[%get3A_521, %get3A_522] : memref<32x512xf32, #tpu.memory_space<vmem>>, vector<32x512xf32>
    %convert_element_type3A_524 = arith.truncf %get3A_523 : vector<32x512xf32> to vector<32x512xbf16>
    %convert_element_type3A_525 = arith.extf %convert_element_type3A_524 : vector<32x512xbf16> to vector<32x512xf32>
    %convert_element_type3A_526 = arith.truncf %get3A_1 : vector<1x512xf32> to vector<1x512xbf16>
    %convert_element_type3A_527 = arith.extf %convert_element_type3A_526 : vector<1x512xbf16> to vector<1x512xf32>
    %mul3A_528 = vector.broadcast %convert_element_type3A_527 : vector<1x512xf32> to vector<32x512xf32>
    %mul3A_529 = arith.mulf %convert_element_type3A_525, %mul3A_528 : vector<32x512xf32>
    %slice3A_530 = vector.extract_strided_slice %mul3A_529 {offsets = [0, 0], sizes = [32, 64], strides = [1, 1]} : vector<32x512xf32> to vector<32x64xf32>
    %reduce_sum3A_531 = arith.constant dense<0.000000e+00> : vector<32xf32>
    %reduce_sum3A_532 = vector.multi_reduction <add>, %slice3A_530, %reduce_sum3A_531 [1] : vector<32x64xf32> to vector<32xf32>
    %broadcast_in_dim3A_533 = vector.shape_cast %reduce_sum3A_532 : vector<32xf32> to vector<32x1xf32>
    %slice3A_534 = vector.extract_strided_slice %mul3A_529 {offsets = [0, 64], sizes = [32, 64], strides = [1, 1]} : vector<32x512xf32> to vector<32x64xf32>
    %reduce_sum3A_535 = arith.constant dense<0.000000e+00> : vector<32xf32>
    %reduce_sum3A_536 = vector.multi_reduction <add>, %slice3A_534, %reduce_sum3A_535 [1] : vector<32x64xf32> to vector<32xf32>
    %broadcast_in_dim3A_537 = vector.shape_cast %reduce_sum3A_536 : vector<32xf32> to vector<32x1xf32>
    %slice3A_538 = vector.extract_strided_slice %mul3A_529 {offsets = [0, 128], sizes = [32, 64], strides = [1, 1]} : vector<32x512xf32> to vector<32x64xf32>
    %reduce_sum3A_539 = arith.constant dense<0.000000e+00> : vector<32xf32>
    %reduce_sum3A_540 = vector.multi_reduction <add>, %slice3A_538, %reduce_sum3A_539 [1] : vector<32x64xf32> to vector<32xf32>
    %broadcast_in_dim3A_541 = vector.shape_cast %reduce_sum3A_540 : vector<32xf32> to vector<32x1xf32>
    %slice3A_542 = vector.extract_strided_slice %mul3A_529 {offsets = [0, 192], sizes = [32, 64], strides = [1, 1]} : vector<32x512xf32> to vector<32x64xf32>
    %reduce_sum3A_543 = arith.constant dense<0.000000e+00> : vector<32xf32>
    %reduce_sum3A_544 = vector.multi_reduction <add>, %slice3A_542, %reduce_sum3A_543 [1] : vector<32x64xf32> to vector<32xf32>
    %broadcast_in_dim3A_545 = vector.shape_cast %reduce_sum3A_544 : vector<32xf32> to vector<32x1xf32>
    %slice3A_546 = vector.extract_strided_slice %mul3A_529 {offsets = [0, 256], sizes = [32, 64], strides = [1, 1]} : vector<32x512xf32> to vector<32x64xf32>
    %reduce_sum3A_547 = arith.constant dense<0.000000e+00> : vector<32xf32>
    %reduce_sum3A_548 = vector.multi_reduction <add>, %slice3A_546, %reduce_sum3A_547 [1] : vector<32x64xf32> to vector<32xf32>
    %broadcast_in_dim3A_549 = vector.shape_cast %reduce_sum3A_548 : vector<32xf32> to vector<32x1xf32>
    %slice3A_550 = vector.extract_strided_slice %mul3A_529 {offsets = [0, 320], sizes = [32, 64], strides = [1, 1]} : vector<32x512xf32> to vector<32x64xf32>
    %reduce_sum3A_551 = arith.constant dense<0.000000e+00> : vector<32xf32>
    %reduce_sum3A_552 = vector.multi_reduction <add>, %slice3A_550, %reduce_sum3A_551 [1] : vector<32x64xf32> to vector<32xf32>
    %broadcast_in_dim3A_553 = vector.shape_cast %reduce_sum3A_552 : vector<32xf32> to vector<32x1xf32>
    %slice3A_554 = vector.extract_strided_slice %mul3A_529 {offsets = [0, 384], sizes = [32, 64], strides = [1, 1]} : vector<32x512xf32> to vector<32x64xf32>
    %reduce_sum3A_555 = arith.constant dense<0.000000e+00> : vector<32xf32>
    %reduce_sum3A_556 = vector.multi_reduction <add>, %slice3A_554, %reduce_sum3A_555 [1] : vector<32x64xf32> to vector<32xf32>
    %broadcast_in_dim3A_557 = vector.shape_cast %reduce_sum3A_556 : vector<32xf32> to vector<32x1xf32>
    %slice3A_558 = vector.extract_strided_slice %mul3A_529 {offsets = [0, 448], sizes = [32, 64], strides = [1, 1]} : vector<32x512xf32> to vector<32x64xf32>
    %reduce_sum3A_559 = arith.constant dense<0.000000e+00> : vector<32xf32>
    %reduce_sum3A_560 = vector.multi_reduction <add>, %slice3A_558, %reduce_sum3A_559 [1] : vector<32x64xf32> to vector<32xf32>
    %broadcast_in_dim3A_561 = vector.shape_cast %reduce_sum3A_560 : vector<32xf32> to vector<32x1xf32>
    %concatenate3A_562 = tpu.concatenate %broadcast_in_dim3A_533, %broadcast_in_dim3A_537, %broadcast_in_dim3A_541, %broadcast_in_dim3A_545, %broadcast_in_dim3A_549, %broadcast_in_dim3A_553, %broadcast_in_dim3A_557, %broadcast_in_dim3A_561 in 1 : vector<32x1xf32>, vector<32x1xf32>, vector<32x1xf32>, vector<32x1xf32>, vector<32x1xf32>, vector<32x1xf32>, vector<32x1xf32>, vector<32x1xf32> -> vector<32x8xf32>
    %iota3A_563 = tpu.iota {dimensions = array<i32: 0>} : vector<32x8xi32>
    %reduce_max3A_564 = arith.constant dense<0xFF800000> : vector<8xf32>
    %reduce_max3A_565 = vector.multi_reduction <maximumf>, %concatenate3A_562, %reduce_max3A_564 [0] : vector<32x8xf32> to vector<8xf32>
    %broadcast_in_dim3A_566 = vector.shape_cast %reduce_max3A_565 : vector<8xf32> to vector<1x8xf32>
    %eq3A_567 = vector.broadcast %broadcast_in_dim3A_566 : vector<1x8xf32> to vector<32x8xf32>
    %eq3A_568 = arith.cmpf oeq, %concatenate3A_562, %eq3A_567 : vector<32x8xf32>
    %jit3A_569 = arith.constant 32 : i32
    %broadcast_in_dim3A_570 = vector.broadcast %jit3A_569 : i32 to vector<32x8xi32>
    %select_n3A_571 = arith.select %eq3A_568, %iota3A_563, %broadcast_in_dim3A_570 : vector<32x8xi1>, vector<32x8xi32>
    %reduce_min3A_572 = arith.constant dense<2147483647> : vector<8xi32>
    %reduce_min3A_573 = vector.multi_reduction <minsi>, %select_n3A_571, %reduce_min3A_572 [0] : vector<32x8xi32> to vector<8xi32>
    %broadcast_in_dim3A_574 = vector.shape_cast %reduce_min3A_573 : vector<8xi32> to vector<1x8xi32>
    %swap3A_575 = arith.constant 0 : index
    %swap3A_576 = arith.constant 0 : index
    %swap3A_577 = vector.load %arg6[%swap3A_575, %swap3A_576] : memref<16x8xi32, #tpu.memory_space<vmem>>, vector<1x8xi32>
    tpu.vector_store %arg6[%swap3A_575, %swap3A_576], %broadcast_in_dim3A_574 {strides = array<i32>} : memref<16x8xi32, #tpu.memory_space<vmem>>, vector<1x8xi32>,
    %eq3A_578 = vector.broadcast %broadcast_in_dim3A_574 : vector<1x8xi32> to vector<32x8xi32>
    %eq3A_579 = arith.cmpi eq, %iota3A_563, %eq3A_578 : vector<32x8xi32>
    %jit3A_580 = arith.constant 0xFF800000 : f32
    %broadcast_in_dim3A_581 = vector.broadcast %jit3A_580 : f32 to vector<32x8xf32>
    %select_n3A_582 = arith.select %eq3A_579, %broadcast_in_dim3A_581, %concatenate3A_562 : vector<32x8xi1>, vector<32x8xf32>
    %reduce_max3A_583 = arith.constant dense<0xFF800000> : vector<8xf32>
    %reduce_max3A_584 = vector.multi_reduction <maximumf>, %select_n3A_582, %reduce_max3A_583 [0] : vector<32x8xf32> to vector<8xf32>
    %broadcast_in_dim3A_585 = vector.shape_cast %reduce_max3A_584 : vector<8xf32> to vector<1x8xf32>
    %eq3A_586 = vector.broadcast %broadcast_in_dim3A_585 : vector<1x8xf32> to vector<32x8xf32>
    %eq3A_587 = arith.cmpf oeq, %select_n3A_582, %eq3A_586 : vector<32x8xf32>
    %jit3A_588 = arith.constant 32 : i32
    %broadcast_in_dim3A_589 = vector.broadcast %jit3A_588 : i32 to vector<32x8xi32>
    %select_n3A_590 = arith.select %eq3A_587, %iota3A_563, %broadcast_in_dim3A_589 : vector<32x8xi1>, vector<32x8xi32>
    %reduce_min3A_591 = arith.constant dense<2147483647> : vector<8xi32>
    %reduce_min3A_592 = vector.multi_reduction <minsi>, %select_n3A_590, %reduce_min3A_591 [0] : vector<32x8xi32> to vector<8xi32>
    %broadcast_in_dim3A_593 = vector.shape_cast %reduce_min3A_592 : vector<8xi32> to vector<1x8xi32>
    %swap3A_594 = arith.constant 1 : index
    %swap3A_595 = arith.constant 0 : index
    %swap3A_596 = vector.load %arg6[%swap3A_594, %swap3A_595] : memref<16x8xi32, #tpu.memory_space<vmem>>, vector<1x8xi32>
    tpu.vector_store %arg6[%swap3A_594, %swap3A_595], %broadcast_in_dim3A_593 {strides = array<i32>} : memref<16x8xi32, #tpu.memory_space<vmem>>, vector<1x8xi32>,
    %eq3A_597 = vector.broadcast %broadcast_in_dim3A_593 : vector<1x8xi32> to vector<32x8xi32>
    %eq3A_598 = arith.cmpi eq, %iota3A_563, %eq3A_597 : vector<32x8xi32>
    %jit3A_599 = arith.constant 0xFF800000 : f32
    %broadcast_in_dim3A_600 = vector.broadcast %jit3A_599 : f32 to vector<32x8xf32>
    %select_n3A_601 = arith.select %eq3A_598, %broadcast_in_dim3A_600, %select_n3A_582 : vector<32x8xi1>, vector<32x8xf32>
    %reduce_max3A_602 = arith.constant dense<0xFF800000> : vector<8xf32>
    %reduce_max3A_603 = vector.multi_reduction <maximumf>, %select_n3A_601, %reduce_max3A_602 [0] : vector<32x8xf32> to vector<8xf32>
    %broadcast_in_dim3A_604 = vector.shape_cast %reduce_max3A_603 : vector<8xf32> to vector<1x8xf32>
    %eq3A_605 = vector.broadcast %broadcast_in_dim3A_604 : vector<1x8xf32> to vector<32x8xf32>
    %eq3A_606 = arith.cmpf oeq, %select_n3A_601, %eq3A_605 : vector<32x8xf32>
    %jit3A_607 = arith.constant 32 : i32
    %broadcast_in_dim3A_608 = vector.broadcast %jit3A_607 : i32 to vector<32x8xi32>
    %select_n3A_609 = arith.select %eq3A_606, %iota3A_563, %broadcast_in_dim3A_608 : vector<32x8xi1>, vector<32x8xi32>
    %reduce_min3A_610 = arith.constant dense<2147483647> : vector<8xi32>
    %reduce_min3A_611 = vector.multi_reduction <minsi>, %select_n3A_609, %reduce_min3A_610 [0] : vector<32x8xi32> to vector<8xi32>
    %broadcast_in_dim3A_612 = vector.shape_cast %reduce_min3A_611 : vector<8xi32> to vector<1x8xi32>
    %swap3A_613 = arith.constant 2 : index
    %swap3A_614 = arith.constant 0 : index
    %swap3A_615 = vector.load %arg6[%swap3A_613, %swap3A_614] : memref<16x8xi32, #tpu.memory_space<vmem>>, vector<1x8xi32>
    tpu.vector_store %arg6[%swap3A_613, %swap3A_614], %broadcast_in_dim3A_612 {strides = array<i32>} : memref<16x8xi32, #tpu.memory_space<vmem>>, vector<1x8xi32>,
    %eq3A_616 = vector.broadcast %broadcast_in_dim3A_612 : vector<1x8xi32> to vector<32x8xi32>
    %eq3A_617 = arith.cmpi eq, %iota3A_563, %eq3A_616 : vector<32x8xi32>
    %jit3A_618 = arith.constant 0xFF800000 : f32
    %broadcast_in_dim3A_619 = vector.broadcast %jit3A_618 : f32 to vector<32x8xf32>
    %select_n3A_620 = arith.select %eq3A_617, %broadcast_in_dim3A_619, %select_n3A_601 : vector<32x8xi1>, vector<32x8xf32>
    %reduce_max3A_621 = arith.constant dense<0xFF800000> : vector<8xf32>
    %reduce_max3A_622 = vector.multi_reduction <maximumf>, %select_n3A_620, %reduce_max3A_621 [0] : vector<32x8xf32> to vector<8xf32>
    %broadcast_in_dim3A_623 = vector.shape_cast %reduce_max3A_622 : vector<8xf32> to vector<1x8xf32>
    %eq3A_624 = vector.broadcast %broadcast_in_dim3A_623 : vector<1x8xf32> to vector<32x8xf32>
    %eq3A_625 = arith.cmpf oeq, %select_n3A_620, %eq3A_624 : vector<32x8xf32>
    %jit3A_626 = arith.constant 32 : i32
    %broadcast_in_dim3A_627 = vector.broadcast %jit3A_626 : i32 to vector<32x8xi32>
    %select_n3A_628 = arith.select %eq3A_625, %iota3A_563, %broadcast_in_dim3A_627 : vector<32x8xi1>, vector<32x8xi32>
    %reduce_min3A_629 = arith.constant dense<2147483647> : vector<8xi32>
    %reduce_min3A_630 = vector.multi_reduction <minsi>, %select_n3A_628, %reduce_min3A_629 [0] : vector<32x8xi32> to vector<8xi32>
    %broadcast_in_dim3A_631 = vector.shape_cast %reduce_min3A_630 : vector<8xi32> to vector<1x8xi32>
    %swap3A_632 = arith.constant 3 : index
    %swap3A_633 = arith.constant 0 : index
    %swap3A_634 = vector.load %arg6[%swap3A_632, %swap3A_633] : memref<16x8xi32, #tpu.memory_space<vmem>>, vector<1x8xi32>
    tpu.vector_store %arg6[%swap3A_632, %swap3A_633], %broadcast_in_dim3A_631 {strides = array<i32>} : memref<16x8xi32, #tpu.memory_space<vmem>>, vector<1x8xi32>,
    %eq3A_635 = vector.broadcast %broadcast_in_dim3A_631 : vector<1x8xi32> to vector<32x8xi32>
    %eq3A_636 = arith.cmpi eq, %iota3A_563, %eq3A_635 : vector<32x8xi32>
    %jit3A_637 = arith.constant 0xFF800000 : f32
    %broadcast_in_dim3A_638 = vector.broadcast %jit3A_637 : f32 to vector<32x8xf32>
    %select_n3A_639 = arith.select %eq3A_636, %broadcast_in_dim3A_638, %select_n3A_620 : vector<32x8xi1>, vector<32x8xf32>
    %reduce_max3A_640 = arith.constant dense<0xFF800000> : vector<8xf32>
    %reduce_max3A_641 = vector.multi_reduction <maximumf>, %select_n3A_639, %reduce_max3A_640 [0] : vector<32x8xf32> to vector<8xf32>
    %broadcast_in_dim3A_642 = vector.shape_cast %reduce_max3A_641 : vector<8xf32> to vector<1x8xf32>
    %eq3A_643 = vector.broadcast %broadcast_in_dim3A_642 : vector<1x8xf32> to vector<32x8xf32>
    %eq3A_644 = arith.cmpf oeq, %select_n3A_639, %eq3A_643 : vector<32x8xf32>
    %jit3A_645 = arith.constant 32 : i32
    %broadcast_in_dim3A_646 = vector.broadcast %jit3A_645 : i32 to vector<32x8xi32>
    %select_n3A_647 = arith.select %eq3A_644, %iota3A_563, %broadcast_in_dim3A_646 : vector<32x8xi1>, vector<32x8xi32>
    %reduce_min3A_648 = arith.constant dense<2147483647> : vector<8xi32>
    %reduce_min3A_649 = vector.multi_reduction <minsi>, %select_n3A_647, %reduce_min3A_648 [0] : vector<32x8xi32> to vector<8xi32>
    %broadcast_in_dim3A_650 = vector.shape_cast %reduce_min3A_649 : vector<8xi32> to vector<1x8xi32>
    %swap3A_651 = arith.constant 4 : index
    %swap3A_652 = arith.constant 0 : index
    %swap3A_653 = vector.load %arg6[%swap3A_651, %swap3A_652] : memref<16x8xi32, #tpu.memory_space<vmem>>, vector<1x8xi32>
    tpu.vector_store %arg6[%swap3A_651, %swap3A_652], %broadcast_in_dim3A_650 {strides = array<i32>} : memref<16x8xi32, #tpu.memory_space<vmem>>, vector<1x8xi32>,
    %eq3A_654 = vector.broadcast %broadcast_in_dim3A_650 : vector<1x8xi32> to vector<32x8xi32>
    %eq3A_655 = arith.cmpi eq, %iota3A_563, %eq3A_654 : vector<32x8xi32>
    %jit3A_656 = arith.constant 0xFF800000 : f32
    %broadcast_in_dim3A_657 = vector.broadcast %jit3A_656 : f32 to vector<32x8xf32>
    %select_n3A_658 = arith.select %eq3A_655, %broadcast_in_dim3A_657, %select_n3A_639 : vector<32x8xi1>, vector<32x8xf32>
    %reduce_max3A_659 = arith.constant dense<0xFF800000> : vector<8xf32>
    %reduce_max3A_660 = vector.multi_reduction <maximumf>, %select_n3A_658, %reduce_max3A_659 [0] : vector<32x8xf32> to vector<8xf32>
    %broadcast_in_dim3A_661 = vector.shape_cast %reduce_max3A_660 : vector<8xf32> to vector<1x8xf32>
    %eq3A_662 = vector.broadcast %broadcast_in_dim3A_661 : vector<1x8xf32> to vector<32x8xf32>
    %eq3A_663 = arith.cmpf oeq, %select_n3A_658, %eq3A_662 : vector<32x8xf32>
    %jit3A_664 = arith.constant 32 : i32
    %broadcast_in_dim3A_665 = vector.broadcast %jit3A_664 : i32 to vector<32x8xi32>
    %select_n3A_666 = arith.select %eq3A_663, %iota3A_563, %broadcast_in_dim3A_665 : vector<32x8xi1>, vector<32x8xi32>
    %reduce_min3A_667 = arith.constant dense<2147483647> : vector<8xi32>
    %reduce_min3A_668 = vector.multi_reduction <minsi>, %select_n3A_666, %reduce_min3A_667 [0] : vector<32x8xi32> to vector<8xi32>
    %broadcast_in_dim3A_669 = vector.shape_cast %reduce_min3A_668 : vector<8xi32> to vector<1x8xi32>
    %swap3A_670 = arith.constant 5 : index
    %swap3A_671 = arith.constant 0 : index
    %swap3A_672 = vector.load %arg6[%swap3A_670, %swap3A_671] : memref<16x8xi32, #tpu.memory_space<vmem>>, vector<1x8xi32>
    tpu.vector_store %arg6[%swap3A_670, %swap3A_671], %broadcast_in_dim3A_669 {strides = array<i32>} : memref<16x8xi32, #tpu.memory_space<vmem>>, vector<1x8xi32>,
    %eq3A_673 = vector.broadcast %broadcast_in_dim3A_669 : vector<1x8xi32> to vector<32x8xi32>
    %eq3A_674 = arith.cmpi eq, %iota3A_563, %eq3A_673 : vector<32x8xi32>
    %jit3A_675 = arith.constant 0xFF800000 : f32
    %broadcast_in_dim3A_676 = vector.broadcast %jit3A_675 : f32 to vector<32x8xf32>
    %select_n3A_677 = arith.select %eq3A_674, %broadcast_in_dim3A_676, %select_n3A_658 : vector<32x8xi1>, vector<32x8xf32>
    %reduce_max3A_678 = arith.constant dense<0xFF800000> : vector<8xf32>
    %reduce_max3A_679 = vector.multi_reduction <maximumf>, %select_n3A_677, %reduce_max3A_678 [0] : vector<32x8xf32> to vector<8xf32>
    %broadcast_in_dim3A_680 = vector.shape_cast %reduce_max3A_679 : vector<8xf32> to vector<1x8xf32>
    %eq3A_681 = vector.broadcast %broadcast_in_dim3A_680 : vector<1x8xf32> to vector<32x8xf32>
    %eq3A_682 = arith.cmpf oeq, %select_n3A_677, %eq3A_681 : vector<32x8xf32>
    %jit3A_683 = arith.constant 32 : i32
    %broadcast_in_dim3A_684 = vector.broadcast %jit3A_683 : i32 to vector<32x8xi32>
    %select_n3A_685 = arith.select %eq3A_682, %iota3A_563, %broadcast_in_dim3A_684 : vector<32x8xi1>, vector<32x8xi32>
    %reduce_min3A_686 = arith.constant dense<2147483647> : vector<8xi32>
    %reduce_min3A_687 = vector.multi_reduction <minsi>, %select_n3A_685, %reduce_min3A_686 [0] : vector<32x8xi32> to vector<8xi32>
    %broadcast_in_dim3A_688 = vector.shape_cast %reduce_min3A_687 : vector<8xi32> to vector<1x8xi32>
    %swap3A_689 = arith.constant 6 : index
    %swap3A_690 = arith.constant 0 : index
    %swap3A_691 = vector.load %arg6[%swap3A_689, %swap3A_690] : memref<16x8xi32, #tpu.memory_space<vmem>>, vector<1x8xi32>
    tpu.vector_store %arg6[%swap3A_689, %swap3A_690], %broadcast_in_dim3A_688 {strides = array<i32>} : memref<16x8xi32, #tpu.memory_space<vmem>>, vector<1x8xi32>,
    %eq3A_692 = vector.broadcast %broadcast_in_dim3A_688 : vector<1x8xi32> to vector<32x8xi32>
    %eq3A_693 = arith.cmpi eq, %iota3A_563, %eq3A_692 : vector<32x8xi32>
    %jit3A_694 = arith.constant 0xFF800000 : f32
    %broadcast_in_dim3A_695 = vector.broadcast %jit3A_694 : f32 to vector<32x8xf32>
    %select_n3A_696 = arith.select %eq3A_693, %broadcast_in_dim3A_695, %select_n3A_677 : vector<32x8xi1>, vector<32x8xf32>
    %reduce_max3A_697 = arith.constant dense<0xFF800000> : vector<8xf32>
    %reduce_max3A_698 = vector.multi_reduction <maximumf>, %select_n3A_696, %reduce_max3A_697 [0] : vector<32x8xf32> to vector<8xf32>
    %broadcast_in_dim3A_699 = vector.shape_cast %reduce_max3A_698 : vector<8xf32> to vector<1x8xf32>
    %eq3A_700 = vector.broadcast %broadcast_in_dim3A_699 : vector<1x8xf32> to vector<32x8xf32>
    %eq3A_701 = arith.cmpf oeq, %select_n3A_696, %eq3A_700 : vector<32x8xf32>
    %jit3A_702 = arith.constant 32 : i32
    %broadcast_in_dim3A_703 = vector.broadcast %jit3A_702 : i32 to vector<32x8xi32>
    %select_n3A_704 = arith.select %eq3A_701, %iota3A_563, %broadcast_in_dim3A_703 : vector<32x8xi1>, vector<32x8xi32>
    %reduce_min3A_705 = arith.constant dense<2147483647> : vector<8xi32>
    %reduce_min3A_706 = vector.multi_reduction <minsi>, %select_n3A_704, %reduce_min3A_705 [0] : vector<32x8xi32> to vector<8xi32>
    %broadcast_in_dim3A_707 = vector.shape_cast %reduce_min3A_706 : vector<8xi32> to vector<1x8xi32>
    %swap3A_708 = arith.constant 7 : index
    %swap3A_709 = arith.constant 0 : index
    %swap3A_710 = vector.load %arg6[%swap3A_708, %swap3A_709] : memref<16x8xi32, #tpu.memory_space<vmem>>, vector<1x8xi32>
    tpu.vector_store %arg6[%swap3A_708, %swap3A_709], %broadcast_in_dim3A_707 {strides = array<i32>} : memref<16x8xi32, #tpu.memory_space<vmem>>, vector<1x8xi32>,
    %eq3A_711 = vector.broadcast %broadcast_in_dim3A_707 : vector<1x8xi32> to vector<32x8xi32>
    %eq3A_712 = arith.cmpi eq, %iota3A_563, %eq3A_711 : vector<32x8xi32>
    %jit3A_713 = arith.constant 0xFF800000 : f32
    %broadcast_in_dim3A_714 = vector.broadcast %jit3A_713 : f32 to vector<32x8xf32>
    %select_n3A_715 = arith.select %eq3A_712, %broadcast_in_dim3A_714, %select_n3A_696 : vector<32x8xi1>, vector<32x8xf32>
    %reduce_max3A_716 = arith.constant dense<0xFF800000> : vector<8xf32>
    %reduce_max3A_717 = vector.multi_reduction <maximumf>, %select_n3A_715, %reduce_max3A_716 [0] : vector<32x8xf32> to vector<8xf32>
    %broadcast_in_dim3A_718 = vector.shape_cast %reduce_max3A_717 : vector<8xf32> to vector<1x8xf32>
    %eq3A_719 = vector.broadcast %broadcast_in_dim3A_718 : vector<1x8xf32> to vector<32x8xf32>
    %eq3A_720 = arith.cmpf oeq, %select_n3A_715, %eq3A_719 : vector<32x8xf32>
    %jit3A_721 = arith.constant 32 : i32
    %broadcast_in_dim3A_722 = vector.broadcast %jit3A_721 : i32 to vector<32x8xi32>
    %select_n3A_723 = arith.select %eq3A_720, %iota3A_563, %broadcast_in_dim3A_722 : vector<32x8xi1>, vector<32x8xi32>
    %reduce_min3A_724 = arith.constant dense<2147483647> : vector<8xi32>
    %reduce_min3A_725 = vector.multi_reduction <minsi>, %select_n3A_723, %reduce_min3A_724 [0] : vector<32x8xi32> to vector<8xi32>
    %broadcast_in_dim3A_726 = vector.shape_cast %reduce_min3A_725 : vector<8xi32> to vector<1x8xi32>
    %swap3A_727 = arith.constant 8 : index
    %swap3A_728 = arith.constant 0 : index
    %swap3A_729 = vector.load %arg6[%swap3A_727, %swap3A_728] : memref<16x8xi32, #tpu.memory_space<vmem>>, vector<1x8xi32>
    tpu.vector_store %arg6[%swap3A_727, %swap3A_728], %broadcast_in_dim3A_726 {strides = array<i32>} : memref<16x8xi32, #tpu.memory_space<vmem>>, vector<1x8xi32>,
    %eq3A_730 = vector.broadcast %broadcast_in_dim3A_726 : vector<1x8xi32> to vector<32x8xi32>
    %eq3A_731 = arith.cmpi eq, %iota3A_563, %eq3A_730 : vector<32x8xi32>
    %jit3A_732 = arith.constant 0xFF800000 : f32
    %broadcast_in_dim3A_733 = vector.broadcast %jit3A_732 : f32 to vector<32x8xf32>
    %select_n3A_734 = arith.select %eq3A_731, %broadcast_in_dim3A_733, %select_n3A_715 : vector<32x8xi1>, vector<32x8xf32>
    %reduce_max3A_735 = arith.constant dense<0xFF800000> : vector<8xf32>
    %reduce_max3A_736 = vector.multi_reduction <maximumf>, %select_n3A_734, %reduce_max3A_735 [0] : vector<32x8xf32> to vector<8xf32>
    %broadcast_in_dim3A_737 = vector.shape_cast %reduce_max3A_736 : vector<8xf32> to vector<1x8xf32>
    %eq3A_738 = vector.broadcast %broadcast_in_dim3A_737 : vector<1x8xf32> to vector<32x8xf32>
    %eq3A_739 = arith.cmpf oeq, %select_n3A_734, %eq3A_738 : vector<32x8xf32>
    %jit3A_740 = arith.constant 32 : i32
    %broadcast_in_dim3A_741 = vector.broadcast %jit3A_740 : i32 to vector<32x8xi32>
    %select_n3A_742 = arith.select %eq3A_739, %iota3A_563, %broadcast_in_dim3A_741 : vector<32x8xi1>, vector<32x8xi32>
    %reduce_min3A_743 = arith.constant dense<2147483647> : vector<8xi32>
    %reduce_min3A_744 = vector.multi_reduction <minsi>, %select_n3A_742, %reduce_min3A_743 [0] : vector<32x8xi32> to vector<8xi32>
    %broadcast_in_dim3A_745 = vector.shape_cast %reduce_min3A_744 : vector<8xi32> to vector<1x8xi32>
    %swap3A_746 = arith.constant 9 : index
    %swap3A_747 = arith.constant 0 : index
    %swap3A_748 = vector.load %arg6[%swap3A_746, %swap3A_747] : memref<16x8xi32, #tpu.memory_space<vmem>>, vector<1x8xi32>
    tpu.vector_store %arg6[%swap3A_746, %swap3A_747], %broadcast_in_dim3A_745 {strides = array<i32>} : memref<16x8xi32, #tpu.memory_space<vmem>>, vector<1x8xi32>,
    %eq3A_749 = vector.broadcast %broadcast_in_dim3A_745 : vector<1x8xi32> to vector<32x8xi32>
    %eq3A_750 = arith.cmpi eq, %iota3A_563, %eq3A_749 : vector<32x8xi32>
    %jit3A_751 = arith.constant 0xFF800000 : f32
    %broadcast_in_dim3A_752 = vector.broadcast %jit3A_751 : f32 to vector<32x8xf32>
    %select_n3A_753 = arith.select %eq3A_750, %broadcast_in_dim3A_752, %select_n3A_734 : vector<32x8xi1>, vector<32x8xf32>
    %reduce_max3A_754 = arith.constant dense<0xFF800000> : vector<8xf32>
    %reduce_max3A_755 = vector.multi_reduction <maximumf>, %select_n3A_753, %reduce_max3A_754 [0] : vector<32x8xf32> to vector<8xf32>
    %broadcast_in_dim3A_756 = vector.shape_cast %reduce_max3A_755 : vector<8xf32> to vector<1x8xf32>
    %eq3A_757 = vector.broadcast %broadcast_in_dim3A_756 : vector<1x8xf32> to vector<32x8xf32>
    %eq3A_758 = arith.cmpf oeq, %select_n3A_753, %eq3A_757 : vector<32x8xf32>
    %jit3A_759 = arith.constant 32 : i32
    %broadcast_in_dim3A_760 = vector.broadcast %jit3A_759 : i32 to vector<32x8xi32>
    %select_n3A_761 = arith.select %eq3A_758, %iota3A_563, %broadcast_in_dim3A_760 : vector<32x8xi1>, vector<32x8xi32>
    %reduce_min3A_762 = arith.constant dense<2147483647> : vector<8xi32>
    %reduce_min3A_763 = vector.multi_reduction <minsi>, %select_n3A_761, %reduce_min3A_762 [0] : vector<32x8xi32> to vector<8xi32>
    %broadcast_in_dim3A_764 = vector.shape_cast %reduce_min3A_763 : vector<8xi32> to vector<1x8xi32>
    %swap3A_765 = arith.constant 10 : index
    %swap3A_766 = arith.constant 0 : index
    %swap3A_767 = vector.load %arg6[%swap3A_765, %swap3A_766] : memref<16x8xi32, #tpu.memory_space<vmem>>, vector<1x8xi32>
    tpu.vector_store %arg6[%swap3A_765, %swap3A_766], %broadcast_in_dim3A_764 {strides = array<i32>} : memref<16x8xi32, #tpu.memory_space<vmem>>, vector<1x8xi32>,
    %eq3A_768 = vector.broadcast %broadcast_in_dim3A_764 : vector<1x8xi32> to vector<32x8xi32>
    %eq3A_769 = arith.cmpi eq, %iota3A_563, %eq3A_768 : vector<32x8xi32>
    %jit3A_770 = arith.constant 0xFF800000 : f32
    %broadcast_in_dim3A_771 = vector.broadcast %jit3A_770 : f32 to vector<32x8xf32>
    %select_n3A_772 = arith.select %eq3A_769, %broadcast_in_dim3A_771, %select_n3A_753 : vector<32x8xi1>, vector<32x8xf32>
    %reduce_max3A_773 = arith.constant dense<0xFF800000> : vector<8xf32>
    %reduce_max3A_774 = vector.multi_reduction <maximumf>, %select_n3A_772, %reduce_max3A_773 [0] : vector<32x8xf32> to vector<8xf32>
    %broadcast_in_dim3A_775 = vector.shape_cast %reduce_max3A_774 : vector<8xf32> to vector<1x8xf32>
    %eq3A_776 = vector.broadcast %broadcast_in_dim3A_775 : vector<1x8xf32> to vector<32x8xf32>
    %eq3A_777 = arith.cmpf oeq, %select_n3A_772, %eq3A_776 : vector<32x8xf32>
    %jit3A_778 = arith.constant 32 : i32
    %broadcast_in_dim3A_779 = vector.broadcast %jit3A_778 : i32 to vector<32x8xi32>
    %select_n3A_780 = arith.select %eq3A_777, %iota3A_563, %broadcast_in_dim3A_779 : vector<32x8xi1>, vector<32x8xi32>
    %reduce_min3A_781 = arith.constant dense<2147483647> : vector<8xi32>
    %reduce_min3A_782 = vector.multi_reduction <minsi>, %select_n3A_780, %reduce_min3A_781 [0] : vector<32x8xi32> to vector<8xi32>
    %broadcast_in_dim3A_783 = vector.shape_cast %reduce_min3A_782 : vector<8xi32> to vector<1x8xi32>
    %swap3A_784 = arith.constant 11 : index
    %swap3A_785 = arith.constant 0 : index
    %swap3A_786 = vector.load %arg6[%swap3A_784, %swap3A_785] : memref<16x8xi32, #tpu.memory_space<vmem>>, vector<1x8xi32>
    tpu.vector_store %arg6[%swap3A_784, %swap3A_785], %broadcast_in_dim3A_783 {strides = array<i32>} : memref<16x8xi32, #tpu.memory_space<vmem>>, vector<1x8xi32>,
    %eq3A_787 = vector.broadcast %broadcast_in_dim3A_783 : vector<1x8xi32> to vector<32x8xi32>
    %eq3A_788 = arith.cmpi eq, %iota3A_563, %eq3A_787 : vector<32x8xi32>
    %jit3A_789 = arith.constant 0xFF800000 : f32
    %broadcast_in_dim3A_790 = vector.broadcast %jit3A_789 : f32 to vector<32x8xf32>
    %select_n3A_791 = arith.select %eq3A_788, %broadcast_in_dim3A_790, %select_n3A_772 : vector<32x8xi1>, vector<32x8xf32>
    %reduce_max3A_792 = arith.constant dense<0xFF800000> : vector<8xf32>
    %reduce_max3A_793 = vector.multi_reduction <maximumf>, %select_n3A_791, %reduce_max3A_792 [0] : vector<32x8xf32> to vector<8xf32>
    %broadcast_in_dim3A_794 = vector.shape_cast %reduce_max3A_793 : vector<8xf32> to vector<1x8xf32>
    %eq3A_795 = vector.broadcast %broadcast_in_dim3A_794 : vector<1x8xf32> to vector<32x8xf32>
    %eq3A_796 = arith.cmpf oeq, %select_n3A_791, %eq3A_795 : vector<32x8xf32>
    %jit3A_797 = arith.constant 32 : i32
    %broadcast_in_dim3A_798 = vector.broadcast %jit3A_797 : i32 to vector<32x8xi32>
    %select_n3A_799 = arith.select %eq3A_796, %iota3A_563, %broadcast_in_dim3A_798 : vector<32x8xi1>, vector<32x8xi32>
    %reduce_min3A_800 = arith.constant dense<2147483647> : vector<8xi32>
    %reduce_min3A_801 = vector.multi_reduction <minsi>, %select_n3A_799, %reduce_min3A_800 [0] : vector<32x8xi32> to vector<8xi32>
    %broadcast_in_dim3A_802 = vector.shape_cast %reduce_min3A_801 : vector<8xi32> to vector<1x8xi32>
    %swap3A_803 = arith.constant 12 : index
    %swap3A_804 = arith.constant 0 : index
    %swap3A_805 = vector.load %arg6[%swap3A_803, %swap3A_804] : memref<16x8xi32, #tpu.memory_space<vmem>>, vector<1x8xi32>
    tpu.vector_store %arg6[%swap3A_803, %swap3A_804], %broadcast_in_dim3A_802 {strides = array<i32>} : memref<16x8xi32, #tpu.memory_space<vmem>>, vector<1x8xi32>,
    %eq3A_806 = vector.broadcast %broadcast_in_dim3A_802 : vector<1x8xi32> to vector<32x8xi32>
    %eq3A_807 = arith.cmpi eq, %iota3A_563, %eq3A_806 : vector<32x8xi32>
    %jit3A_808 = arith.constant 0xFF800000 : f32
    %broadcast_in_dim3A_809 = vector.broadcast %jit3A_808 : f32 to vector<32x8xf32>
    %select_n3A_810 = arith.select %eq3A_807, %broadcast_in_dim3A_809, %select_n3A_791 : vector<32x8xi1>, vector<32x8xf32>
    %reduce_max3A_811 = arith.constant dense<0xFF800000> : vector<8xf32>
    %reduce_max3A_812 = vector.multi_reduction <maximumf>, %select_n3A_810, %reduce_max3A_811 [0] : vector<32x8xf32> to vector<8xf32>
    %broadcast_in_dim3A_813 = vector.shape_cast %reduce_max3A_812 : vector<8xf32> to vector<1x8xf32>
    %eq3A_814 = vector.broadcast %broadcast_in_dim3A_813 : vector<1x8xf32> to vector<32x8xf32>
    %eq3A_815 = arith.cmpf oeq, %select_n3A_810, %eq3A_814 : vector<32x8xf32>
    %jit3A_816 = arith.constant 32 : i32
    %broadcast_in_dim3A_817 = vector.broadcast %jit3A_816 : i32 to vector<32x8xi32>
    %select_n3A_818 = arith.select %eq3A_815, %iota3A_563, %broadcast_in_dim3A_817 : vector<32x8xi1>, vector<32x8xi32>
    %reduce_min3A_819 = arith.constant dense<2147483647> : vector<8xi32>
    %reduce_min3A_820 = vector.multi_reduction <minsi>, %select_n3A_818, %reduce_min3A_819 [0] : vector<32x8xi32> to vector<8xi32>
    %broadcast_in_dim3A_821 = vector.shape_cast %reduce_min3A_820 : vector<8xi32> to vector<1x8xi32>
    %swap3A_822 = arith.constant 13 : index
    %swap3A_823 = arith.constant 0 : index
    %swap3A_824 = vector.load %arg6[%swap3A_822, %swap3A_823] : memref<16x8xi32, #tpu.memory_space<vmem>>, vector<1x8xi32>
    tpu.vector_store %arg6[%swap3A_822, %swap3A_823], %broadcast_in_dim3A_821 {strides = array<i32>} : memref<16x8xi32, #tpu.memory_space<vmem>>, vector<1x8xi32>,
    %eq3A_825 = vector.broadcast %broadcast_in_dim3A_821 : vector<1x8xi32> to vector<32x8xi32>
    %eq3A_826 = arith.cmpi eq, %iota3A_563, %eq3A_825 : vector<32x8xi32>
    %jit3A_827 = arith.constant 0xFF800000 : f32
    %broadcast_in_dim3A_828 = vector.broadcast %jit3A_827 : f32 to vector<32x8xf32>
    %select_n3A_829 = arith.select %eq3A_826, %broadcast_in_dim3A_828, %select_n3A_810 : vector<32x8xi1>, vector<32x8xf32>
    %reduce_max3A_830 = arith.constant dense<0xFF800000> : vector<8xf32>
    %reduce_max3A_831 = vector.multi_reduction <maximumf>, %select_n3A_829, %reduce_max3A_830 [0] : vector<32x8xf32> to vector<8xf32>
    %broadcast_in_dim3A_832 = vector.shape_cast %reduce_max3A_831 : vector<8xf32> to vector<1x8xf32>
    %eq3A_833 = vector.broadcast %broadcast_in_dim3A_832 : vector<1x8xf32> to vector<32x8xf32>
    %eq3A_834 = arith.cmpf oeq, %select_n3A_829, %eq3A_833 : vector<32x8xf32>
    %jit3A_835 = arith.constant 32 : i32
    %broadcast_in_dim3A_836 = vector.broadcast %jit3A_835 : i32 to vector<32x8xi32>
    %select_n3A_837 = arith.select %eq3A_834, %iota3A_563, %broadcast_in_dim3A_836 : vector<32x8xi1>, vector<32x8xi32>
    %reduce_min3A_838 = arith.constant dense<2147483647> : vector<8xi32>
    %reduce_min3A_839 = vector.multi_reduction <minsi>, %select_n3A_837, %reduce_min3A_838 [0] : vector<32x8xi32> to vector<8xi32>
    %broadcast_in_dim3A_840 = vector.shape_cast %reduce_min3A_839 : vector<8xi32> to vector<1x8xi32>
    %swap3A_841 = arith.constant 14 : index
    %swap3A_842 = arith.constant 0 : index
    %swap3A_843 = vector.load %arg6[%swap3A_841, %swap3A_842] : memref<16x8xi32, #tpu.memory_space<vmem>>, vector<1x8xi32>
    tpu.vector_store %arg6[%swap3A_841, %swap3A_842], %broadcast_in_dim3A_840 {strides = array<i32>} : memref<16x8xi32, #tpu.memory_space<vmem>>, vector<1x8xi32>,
    %eq3A_844 = vector.broadcast %broadcast_in_dim3A_840 : vector<1x8xi32> to vector<32x8xi32>
    %eq3A_845 = arith.cmpi eq, %iota3A_563, %eq3A_844 : vector<32x8xi32>
    %jit3A_846 = arith.constant 0xFF800000 : f32
    %broadcast_in_dim3A_847 = vector.broadcast %jit3A_846 : f32 to vector<32x8xf32>
    %select_n3A_848 = arith.select %eq3A_845, %broadcast_in_dim3A_847, %select_n3A_829 : vector<32x8xi1>, vector<32x8xf32>
    %reduce_max3A_849 = arith.constant dense<0xFF800000> : vector<8xf32>
    %reduce_max3A_850 = vector.multi_reduction <maximumf>, %select_n3A_848, %reduce_max3A_849 [0] : vector<32x8xf32> to vector<8xf32>
    %broadcast_in_dim3A_851 = vector.shape_cast %reduce_max3A_850 : vector<8xf32> to vector<1x8xf32>
    %eq3A_852 = vector.broadcast %broadcast_in_dim3A_851 : vector<1x8xf32> to vector<32x8xf32>
    %eq3A_853 = arith.cmpf oeq, %select_n3A_848, %eq3A_852 : vector<32x8xf32>
    %jit3A_854 = arith.constant 32 : i32
    %broadcast_in_dim3A_855 = vector.broadcast %jit3A_854 : i32 to vector<32x8xi32>
    %select_n3A_856 = arith.select %eq3A_853, %iota3A_563, %broadcast_in_dim3A_855 : vector<32x8xi1>, vector<32x8xi32>
    %reduce_min3A_857 = arith.constant dense<2147483647> : vector<8xi32>
    %reduce_min3A_858 = vector.multi_reduction <minsi>, %select_n3A_856, %reduce_min3A_857 [0] : vector<32x8xi32> to vector<8xi32>
    %broadcast_in_dim3A_859 = vector.shape_cast %reduce_min3A_858 : vector<8xi32> to vector<1x8xi32>
    %swap3A_860 = arith.constant 15 : index
    %swap3A_861 = arith.constant 0 : index
    %swap3A_862 = vector.load %arg6[%swap3A_860, %swap3A_861] : memref<16x8xi32, #tpu.memory_space<vmem>>, vector<1x8xi32>
    tpu.vector_store %arg6[%swap3A_860, %swap3A_861], %broadcast_in_dim3A_859 {strides = array<i32>} : memref<16x8xi32, #tpu.memory_space<vmem>>, vector<1x8xi32>,
    return
  }
}

module attributes {stable_mosaic.version = 14 : i64} {
  func.func @_ctx_body(%arg0: i32, %arg1: memref<1024x128xf32, #tpu.memory_space<vmem>>, %arg2: memref<1x128xf32, #tpu.memory_space<vmem>>, %arg3: memref<1x128xf32, #tpu.memory_space<vmem>>, %arg4: memref<512x128xf32, #tpu.memory_space<vmem>>, %arg5: memref<1024x128xf32, #tpu.memory_space<vmem>>, %arg6: memref<1x1x512xf32, #tpu.memory_space<vmem>>, %arg7: memref<32x512xf32, #tpu.memory_space<vmem>>, %arg8: memref<32x512xf32, #tpu.memory_space<vmem>>) attributes {dimension_semantics = [#tpu.dimension_semantics<arbitrary>], iteration_bounds = array<i64: 16>, scalar_prefetch = 0 : i64, scratch_operands = 0 : i64, tpu.core_type = #tpu.core_type<tc>, window_params = [{transform_indices = @transform_0, window_bounds = array<i64: 1024, 128>}, {pipeline_mode = #tpu.pipeline_mode<synchronous>, transform_indices = @transform_1, window_bounds = array<i64: 1, 128>}, {pipeline_mode = #tpu.pipeline_mode<synchronous>, transform_indices = @transform_2, window_bounds = array<i64: 1, 128>}, {pipeline_mode = #tpu.pipeline_mode<synchronous>, transform_indices = @transform_3, window_bounds = array<i64: 512, 128>}, {transform_indices = @transform_4, window_bounds = array<i64: 1024, 128>}, {transform_indices = @transform_5, window_bounds = array<i64: 1, 1, 512>}, {pipeline_mode = #tpu.pipeline_mode<synchronous>, transform_indices = @transform_6, window_bounds = array<i64: 32, 512>}, {pipeline_mode = #tpu.pipeline_mode<synchronous>, transform_indices = @transform_7, window_bounds = array<i64: 32, 512>}]} {
    %get3A = arith.constant 0 : index
    %get3A_0 = arith.constant 0 : index
    %get3A_1 = vector.load %arg1[%get3A, %get3A_0] : memref<1024x128xf32, #tpu.memory_space<vmem>>, vector<1024x128xf32>
    %get3A_2 = arith.constant 0 : index
    %get3A_3 = arith.constant 0 : index
    %get3A_4 = vector.load %arg2[%get3A_2, %get3A_3] : memref<1x128xf32, #tpu.memory_space<vmem>>, vector<1x128xf32>
    %get3A_5 = arith.constant 0 : index
    %get3A_6 = arith.constant 0 : index
    %get3A_7 = vector.load %arg3[%get3A_5, %get3A_6] : memref<1x128xf32, #tpu.memory_space<vmem>>, vector<1x128xf32>
    %reduce_sum3A = arith.constant dense<0.000000e+00> : vector<1024xf32>
    %reduce_sum3A_8 = vector.multi_reduction <add>, %get3A_1, %reduce_sum3A [1] : vector<1024x128xf32> to vector<1024xf32>
    %broadcast_in_dim3A = vector.shape_cast %reduce_sum3A_8 : vector<1024xf32> to vector<1024x1xf32>
    %div3A = arith.constant 1.280000e+02 : f32
    %div3A_9 = vector.broadcast %div3A : f32 to vector<1024x1xf32>
    %div3A_10 = arith.divf %broadcast_in_dim3A, %div3A_9 : vector<1024x1xf32>
    %sub3A = vector.broadcast %div3A_10 : vector<1024x1xf32> to vector<1024x128xf32>
    %sub3A_11 = arith.subf %get3A_1, %sub3A : vector<1024x128xf32>
    %integer_pow3A = arith.mulf %sub3A_11, %sub3A_11 : vector<1024x128xf32>
    %reduce_sum3A_12 = arith.constant dense<0.000000e+00> : vector<1024xf32>
    %reduce_sum3A_13 = vector.multi_reduction <add>, %integer_pow3A, %reduce_sum3A_12 [1] : vector<1024x128xf32> to vector<1024xf32>
    %broadcast_in_dim3A_14 = vector.shape_cast %reduce_sum3A_13 : vector<1024xf32> to vector<1024x1xf32>
    %div3A_15 = arith.constant 1.280000e+02 : f32
    %div3A_16 = vector.broadcast %div3A_15 : f32 to vector<1024x1xf32>
    %div3A_17 = arith.divf %broadcast_in_dim3A_14, %div3A_16 : vector<1024x1xf32>
    %sub3A_18 = vector.broadcast %div3A_10 : vector<1024x1xf32> to vector<1024x128xf32>
    %sub3A_19 = arith.subf %get3A_1, %sub3A_18 : vector<1024x128xf32>
    %mul3A = vector.broadcast %get3A_4 : vector<1x128xf32> to vector<1024x128xf32>
    %mul3A_20 = arith.mulf %mul3A, %sub3A_19 : vector<1024x128xf32>
    %sqrt3A = math.sqrt %div3A_17 : vector<1024x1xf32>
    %add3A = arith.constant 9.99999997E-7 : f32
    %add3A_21 = vector.broadcast %add3A : f32 to vector<1024x1xf32>
    %add3A_22 = arith.addf %sqrt3A, %add3A_21 : vector<1024x1xf32>
    %div3A_23 = vector.broadcast %add3A_22 : vector<1024x1xf32> to vector<1024x128xf32>
    %div3A_24 = arith.divf %mul3A_20, %div3A_23 : vector<1024x128xf32>
    %add3A_25 = vector.broadcast %get3A_7 : vector<1x128xf32> to vector<1024x128xf32>
    %add3A_26 = arith.addf %div3A_24, %add3A_25 : vector<1024x128xf32>
    %swap3A = arith.constant 0 : index
    %swap3A_27 = arith.constant 0 : index
    %swap3A_28 = vector.load %arg5[%swap3A, %swap3A_27] : memref<1024x128xf32, #tpu.memory_space<vmem>>, vector<1024x128xf32>
    tpu.vector_store %arg5[%swap3A, %swap3A_27], %add3A_26 {strides = array<i32>} : memref<1024x128xf32, #tpu.memory_space<vmem>>, vector<1024x128xf32>,
    %get3A_29 = arith.constant 0 : index
    %get3A_30 = arith.constant 0 : index
    %get3A_31 = vector.load %arg4[%get3A_29, %get3A_30] : memref<512x128xf32, #tpu.memory_space<vmem>>, vector<512x128xf32>
    %dot_general3A = arith.constant dense<0.000000e+00> : vector<1024x512xf32>
    %dot_general3A_32 = tpu.matmul %add3A_26, %get3A_31, %dot_general3A {dimension_numbers = #tpu.dot_dimension_numbers<[1], [1], [0], [0], [0, 0, 1, 0], [], []>, transpose_lhs_hint = false} : vector<1024x128xf32>, vector<512x128xf32>, vector<1024x512xf32> -> vector<1024x512xf32>
    %mul3A_33 = arith.mulf %dot_general3A_32, %dot_general3A_32 : vector<1024x512xf32>
    %iota3A = tpu.iota {dimensions = array<i32: 0>} : vector<512x8xi32>
    %iota3A_34 = tpu.iota {dimensions = array<i32: 1>} : vector<512x8xi32>
    %jit3A = arith.constant 64 : i32
    %div3A_35 = vector.broadcast %jit3A : i32 to vector<512x8xi32>
    %div3A_36 = arith.divsi %iota3A, %div3A_35 : vector<512x8xi32>
    %sign3A = arith.constant 0 : i32
    %sign3A_37 = vector.broadcast %sign3A : i32 to vector<512x8xi32>
    %sign3A_38 = arith.cmpi sgt, %iota3A, %sign3A_37 : vector<512x8xi32>
    %sign3A_39 = arith.extui %sign3A_38 : vector<512x8xi1> to vector<512x8xi32>
    %sign3A_40 = arith.constant 0 : i32
    %sign3A_41 = vector.broadcast %sign3A_40 : i32 to vector<512x8xi32>
    %sign3A_42 = arith.cmpi slt, %iota3A, %sign3A_41 : vector<512x8xi32>
    %sign3A_43 = arith.extui %sign3A_42 : vector<512x8xi1> to vector<512x8xi32>
    %sign3A_44 = arith.subi %sign3A_39, %sign3A_43 : vector<512x8xi32>
    %sign3A_45 = arith.constant 0 : i32
    %sign3A_46 = arith.cmpi sgt, %jit3A, %sign3A_45 : i32
    %sign3A_47 = arith.extui %sign3A_46 : i1 to i32
    %sign3A_48 = arith.constant 0 : i32
    %sign3A_49 = arith.cmpi slt, %jit3A, %sign3A_48 : i32
    %sign3A_50 = arith.extui %sign3A_49 : i1 to i32
    %sign3A_51 = arith.subi %sign3A_47, %sign3A_50 : i32
    %ne3A = vector.broadcast %sign3A_51 : i32 to vector<512x8xi32>
    %ne3A_52 = arith.cmpi ne, %sign3A_44, %ne3A : vector<512x8xi32>
    %rem3A = vector.broadcast %jit3A : i32 to vector<512x8xi32>
    %rem3A_53 = arith.remsi %iota3A, %rem3A : vector<512x8xi32>
    %ne3A_54 = arith.constant 0 : i32
    %ne3A_55 = vector.broadcast %ne3A_54 : i32 to vector<512x8xi32>
    %ne3A_56 = arith.cmpi ne, %rem3A_53, %ne3A_55 : vector<512x8xi32>
    %and3A = arith.andi %ne3A_52, %ne3A_56 : vector<512x8xi1>
    %sub3A_57 = arith.constant 1 : i32
    %sub3A_58 = vector.broadcast %sub3A_57 : i32 to vector<512x8xi32>
    %sub3A_59 = arith.subi %div3A_36, %sub3A_58 : vector<512x8xi32>
    %select_n3A = arith.select %and3A, %sub3A_59, %div3A_36 : vector<512x8xi1>, vector<512x8xi32>
    %eq3A = arith.cmpi eq, %select_n3A, %iota3A_34 : vector<512x8xi32>
    %convert_element_type3A = arith.extui %eq3A : vector<512x8xi1> to vector<512x8xi32>
    %convert_element_type3A_60 = arith.sitofp %convert_element_type3A : vector<512x8xi32> to vector<512x8xf32>
    %dot_general3A_61 = arith.constant dense<0.000000e+00> : vector<1024x8xf32>
    %dot_general3A_62 = tpu.matmul %mul3A_33, %convert_element_type3A_60, %dot_general3A_61 {dimension_numbers = #tpu.dot_dimension_numbers<[1], [0], [0], [1], [0, 0, 1, 1], [], []>, precision = #tpu.contract_precision<fp32>, transpose_lhs_hint = false} : vector<1024x512xf32>, vector<512x8xf32>, vector<1024x8xf32> -> vector<1024x8xf32>
    %sqrt3A_63 = math.sqrt %dot_general3A_62 : vector<1024x8xf32>
    %max3A = arith.constant 9.99999996E-13 : f32
    %max3A_64 = vector.broadcast %max3A : f32 to vector<1024x8xf32>
    %max3A_65 = arith.maximumf %sqrt3A_63, %max3A_64 : vector<1024x8xf32>
    %slice3A = vector.extract_strided_slice %dot_general3A_32 {offsets = [0, 0], sizes = [1024, 64], strides = [1, 1]} : vector<1024x512xf32> to vector<1024x64xf32>
    %slice3A_66 = vector.extract_strided_slice %max3A_65 {offsets = [0, 0], sizes = [1024, 1], strides = [1, 1]} : vector<1024x8xf32> to vector<1024x1xf32>
    %div3A_67 = vector.broadcast %slice3A_66 : vector<1024x1xf32> to vector<1024x64xf32>
    %div3A_68 = arith.divf %slice3A, %div3A_67 : vector<1024x64xf32>
    %slice3A_69 = vector.extract_strided_slice %dot_general3A_32 {offsets = [0, 64], sizes = [1024, 64], strides = [1, 1]} : vector<1024x512xf32> to vector<1024x64xf32>
    %slice3A_70 = vector.extract_strided_slice %max3A_65 {offsets = [0, 1], sizes = [1024, 1], strides = [1, 1]} : vector<1024x8xf32> to vector<1024x1xf32>
    %div3A_71 = vector.broadcast %slice3A_70 : vector<1024x1xf32> to vector<1024x64xf32>
    %div3A_72 = arith.divf %slice3A_69, %div3A_71 : vector<1024x64xf32>
    %slice3A_73 = vector.extract_strided_slice %dot_general3A_32 {offsets = [0, 128], sizes = [1024, 64], strides = [1, 1]} : vector<1024x512xf32> to vector<1024x64xf32>
    %slice3A_74 = vector.extract_strided_slice %max3A_65 {offsets = [0, 2], sizes = [1024, 1], strides = [1, 1]} : vector<1024x8xf32> to vector<1024x1xf32>
    %div3A_75 = vector.broadcast %slice3A_74 : vector<1024x1xf32> to vector<1024x64xf32>
    %div3A_76 = arith.divf %slice3A_73, %div3A_75 : vector<1024x64xf32>
    %slice3A_77 = vector.extract_strided_slice %dot_general3A_32 {offsets = [0, 192], sizes = [1024, 64], strides = [1, 1]} : vector<1024x512xf32> to vector<1024x64xf32>
    %slice3A_78 = vector.extract_strided_slice %max3A_65 {offsets = [0, 3], sizes = [1024, 1], strides = [1, 1]} : vector<1024x8xf32> to vector<1024x1xf32>
    %div3A_79 = vector.broadcast %slice3A_78 : vector<1024x1xf32> to vector<1024x64xf32>
    %div3A_80 = arith.divf %slice3A_77, %div3A_79 : vector<1024x64xf32>
    %slice3A_81 = vector.extract_strided_slice %dot_general3A_32 {offsets = [0, 256], sizes = [1024, 64], strides = [1, 1]} : vector<1024x512xf32> to vector<1024x64xf32>
    %slice3A_82 = vector.extract_strided_slice %max3A_65 {offsets = [0, 4], sizes = [1024, 1], strides = [1, 1]} : vector<1024x8xf32> to vector<1024x1xf32>
    %div3A_83 = vector.broadcast %slice3A_82 : vector<1024x1xf32> to vector<1024x64xf32>
    %div3A_84 = arith.divf %slice3A_81, %div3A_83 : vector<1024x64xf32>
    %slice3A_85 = vector.extract_strided_slice %dot_general3A_32 {offsets = [0, 320], sizes = [1024, 64], strides = [1, 1]} : vector<1024x512xf32> to vector<1024x64xf32>
    %slice3A_86 = vector.extract_strided_slice %max3A_65 {offsets = [0, 5], sizes = [1024, 1], strides = [1, 1]} : vector<1024x8xf32> to vector<1024x1xf32>
    %div3A_87 = vector.broadcast %slice3A_86 : vector<1024x1xf32> to vector<1024x64xf32>
    %div3A_88 = arith.divf %slice3A_85, %div3A_87 : vector<1024x64xf32>
    %slice3A_89 = vector.extract_strided_slice %dot_general3A_32 {offsets = [0, 384], sizes = [1024, 64], strides = [1, 1]} : vector<1024x512xf32> to vector<1024x64xf32>
    %slice3A_90 = vector.extract_strided_slice %max3A_65 {offsets = [0, 6], sizes = [1024, 1], strides = [1, 1]} : vector<1024x8xf32> to vector<1024x1xf32>
    %div3A_91 = vector.broadcast %slice3A_90 : vector<1024x1xf32> to vector<1024x64xf32>
    %div3A_92 = arith.divf %slice3A_89, %div3A_91 : vector<1024x64xf32>
    %slice3A_93 = vector.extract_strided_slice %dot_general3A_32 {offsets = [0, 448], sizes = [1024, 64], strides = [1, 1]} : vector<1024x512xf32> to vector<1024x64xf32>
    %slice3A_94 = vector.extract_strided_slice %max3A_65 {offsets = [0, 7], sizes = [1024, 1], strides = [1, 1]} : vector<1024x8xf32> to vector<1024x1xf32>
    %div3A_95 = vector.broadcast %slice3A_94 : vector<1024x1xf32> to vector<1024x64xf32>
    %div3A_96 = arith.divf %slice3A_93, %div3A_95 : vector<1024x64xf32>
    %concatenate3A = tpu.concatenate %div3A_68, %div3A_72, %div3A_76, %div3A_80, %div3A_84, %div3A_88, %div3A_92, %div3A_96 in 1 : vector<1024x64xf32>, vector<1024x64xf32>, vector<1024x64xf32>, vector<1024x64xf32>, vector<1024x64xf32>, vector<1024x64xf32>, vector<1024x64xf32>, vector<1024x64xf32> -> vector<1024x512xf32>
    %abs3A = math.absf %concatenate3A : vector<1024x512xf32>
    %reduce_sum3A_97 = arith.constant dense<0.000000e+00> : vector<512xf32>
    %reduce_sum3A_98 = vector.multi_reduction <add>, %abs3A, %reduce_sum3A_97 [0] : vector<1024x512xf32> to vector<512xf32>
    %broadcast_in_dim3A_99 = vector.shape_cast %reduce_sum3A_98 : vector<512xf32> to vector<1x512xf32>
    %swap3A_100 = arith.constant 0 : index
    %swap3A_101 = arith.constant 0 : index
    %swap3A_102 = arith.constant 0 : index
    %swap3A_103 = vector.load %arg6[%swap3A_100, %swap3A_101, %swap3A_102] : memref<1x1x512xf32, #tpu.memory_space<vmem>>, vector<1x1x512xf32>
    %swap3A_104 = vector.shape_cast %swap3A_103 : vector<1x1x512xf32> to vector<1x512xf32>
    %swap3A_105 = vector.shape_cast %broadcast_in_dim3A_99 : vector<1x512xf32> to vector<1x1x512xf32>
    tpu.vector_store %arg6[%swap3A_100, %swap3A_101, %swap3A_102], %swap3A_105 {strides = array<i32>} : memref<1x1x512xf32, #tpu.memory_space<vmem>>, vector<1x1x512xf32>,
    %reshape3A = vector.shape_cast %abs3A : vector<1024x512xf32> to vector<32x32x512xf32>
    %reduce_sum3A_106 = arith.constant dense<0.000000e+00> : vector<32x512xf32>
    %reduce_sum3A_107 = vector.multi_reduction <add>, %reshape3A, %reduce_sum3A_106 [1] : vector<32x32x512xf32> to vector<32x512xf32>
    %reduce_sum3A_108 = arith.constant dense<0.000000e+00> : vector<32x512xf32>
    %reduce_sum3A_109 = vector.multi_reduction <add>, %reshape3A, %reduce_sum3A_108 [0] : vector<32x32x512xf32> to vector<32x512xf32>
    %eq3A_110 = arith.constant 0 : i32
    %eq3A_111 = arith.cmpi eq, %arg0, %eq3A_110 : i32
    %convert_element_type3A_112 = arith.extui %eq3A_111 : i1 to i32
    %cond3A = arith.constant 0 : i32
    %cond3A_113 = arith.cmpi ne, %convert_element_type3A_112, %cond3A : i32
    scf.if %cond3A_113 {
      %swap3A_119 = arith.constant 0 : index
      %swap3A_120 = arith.constant 0 : index
      %swap3A_121 = vector.load %arg7[%swap3A_119, %swap3A_120] : memref<32x512xf32, #tpu.memory_space<vmem>>, vector<32x512xf32>
      tpu.vector_store %arg7[%swap3A_119, %swap3A_120], %reduce_sum3A_107 {strides = array<i32>} : memref<32x512xf32, #tpu.memory_space<vmem>>, vector<32x512xf32>,
      %swap3A_122 = arith.constant 0 : index
      %swap3A_123 = arith.constant 0 : index
      %swap3A_124 = vector.load %arg8[%swap3A_122, %swap3A_123] : memref<32x512xf32, #tpu.memory_space<vmem>>, vector<32x512xf32>
      tpu.vector_store %arg8[%swap3A_122, %swap3A_123], %reduce_sum3A_109 {strides = array<i32>} : memref<32x512xf32, #tpu.memory_space<vmem>>, vector<32x512xf32>,
    } else {
    }
    %ne3A_114 = arith.constant 0 : i32
    %ne3A_115 = arith.cmpi ne, %arg0, %ne3A_114 : i32
    %convert_element_type3A_116 = arith.extui %ne3A_115 : i1 to i32
    %cond3A_117 = arith.constant 0 : i32
    %cond3A_118 = arith.cmpi ne, %convert_element_type3A_116, %cond3A_117 : i32
    scf.if %cond3A_118 {
      %get3A_119 = arith.constant 0 : index
      %get3A_120 = arith.constant 0 : index
      %get3A_121 = vector.load %arg7[%get3A_119, %get3A_120] : memref<32x512xf32, #tpu.memory_space<vmem>>, vector<32x512xf32>
      %add3A_122 = arith.addf %get3A_121, %reduce_sum3A_107 : vector<32x512xf32>
      %swap3A_123 = arith.constant 0 : index
      %swap3A_124 = arith.constant 0 : index
      %swap3A_125 = vector.load %arg7[%swap3A_123, %swap3A_124] : memref<32x512xf32, #tpu.memory_space<vmem>>, vector<32x512xf32>
      tpu.vector_store %arg7[%swap3A_123, %swap3A_124], %add3A_122 {strides = array<i32>} : memref<32x512xf32, #tpu.memory_space<vmem>>, vector<32x512xf32>,
      %get3A_126 = arith.constant 0 : index
      %get3A_127 = arith.constant 0 : index
      %get3A_128 = vector.load %arg8[%get3A_126, %get3A_127] : memref<32x512xf32, #tpu.memory_space<vmem>>, vector<32x512xf32>
      %add3A_129 = arith.addf %get3A_128, %reduce_sum3A_109 : vector<32x512xf32>
      %swap3A_130 = arith.constant 0 : index
      %swap3A_131 = arith.constant 0 : index
      %swap3A_132 = vector.load %arg8[%swap3A_130, %swap3A_131] : memref<32x512xf32, #tpu.memory_space<vmem>>, vector<32x512xf32>
      tpu.vector_store %arg8[%swap3A_130, %swap3A_131], %add3A_129 {strides = array<i32>} : memref<32x512xf32, #tpu.memory_space<vmem>>, vector<32x512xf32>,
    } else {
    }
    return
  }
  func.func @transform_0(%arg0: i32) -> (i32, i32) {
    %c0_i32 = arith.constant 0 : i32
    %c0_i32_0 = arith.constant 0 : i32
    return %arg0, %c0_i32 : i32, i32
  }
  func.func @transform_1(%arg0: i32) -> (i32, i32) {
    %c0_i32 = arith.constant 0 : i32
    %c0_i32_0 = arith.constant 0 : i32
    %c0_i32_1 = arith.constant 0 : i32
    return %c0_i32, %c0_i32_0 : i32, i32
  }
  func.func @transform_2(%arg0: i32) -> (i32, i32) {
    %c0_i32 = arith.constant 0 : i32
    %c0_i32_0 = arith.constant 0 : i32
    %c0_i32_1 = arith.constant 0 : i32
    return %c0_i32, %c0_i32_0 : i32, i32
  }
  func.func @transform_3(%arg0: i32) -> (i32, i32) {
    %c0_i32 = arith.constant 0 : i32
    %c0_i32_0 = arith.constant 0 : i32
    %c0_i32_1 = arith.constant 0 : i32
    return %c0_i32, %c0_i32_0 : i32, i32
  }
  func.func @transform_4(%arg0: i32) -> (i32, i32) {
    %c0_i32 = arith.constant 0 : i32
    %c0_i32_0 = arith.constant 0 : i32
    return %arg0, %c0_i32 : i32, i32
  }
  func.func @transform_5(%arg0: i32) -> (i32, i32, i32) {
    %c0_i32 = arith.constant 0 : i32
    %c0_i32_0 = arith.constant 0 : i32
    %c0_i32_1 = arith.constant 0 : i32
    return %arg0, %c0_i32, %c0_i32_0 : i32, i32, i32
  }
  func.func @transform_6(%arg0: i32) -> (i32, i32) {
    %c0_i32 = arith.constant 0 : i32
    %c0_i32_0 = arith.constant 0 : i32
    %c0_i32_1 = arith.constant 0 : i32
    return %c0_i32, %c0_i32_0 : i32, i32
  }
  func.func @transform_7(%arg0: i32) -> (i32, i32) {
    %c0_i32 = arith.constant 0 : i32
    %c0_i32_0 = arith.constant 0 : i32
    %c0_i32_1 = arith.constant 0 : i32
    return %c0_i32, %c0_i32_0 : i32, i32
  }
}

module attributes {stable_mosaic.version = 14 : i64} {
  func.func @_attn_body(%arg0: i32, %arg1: memref<1x2048x64xbf16, #tpu.memory_space<vmem>>, %arg2: memref<1x2048x128xf32, #tpu.memory_space<vmem>>, %arg3: memref<64x128xf32, #tpu.memory_space<vmem>>, %arg4: memref<64x128xf32, #tpu.memory_space<vmem>>, %arg5: memref<1x2048x64xf32, #tpu.memory_space<vmem>>) attributes {dimension_semantics = [#tpu.dimension_semantics<arbitrary>], iteration_bounds = array<i64: 8>, scalar_prefetch = 0 : i64, scratch_operands = 0 : i64, tpu.core_type = #tpu.core_type<tc>, window_params = [{transform_indices = @transform_0, window_bounds = array<i64: 1, 2048, 64>}, {transform_indices = @transform_1, window_bounds = array<i64: 1, 2048, 128>}, {transform_indices = @transform_2, window_bounds = array<i64: 64, 128>}, {transform_indices = @transform_3, window_bounds = array<i64: 64, 128>}, {transform_indices = @transform_4, window_bounds = array<i64: 1, 2048, 64>}]} {
    %get3A = arith.constant 0 : index
    %get3A_0 = arith.constant 0 : index
    %get3A_1 = arith.constant 0 : index
    %get3A_2 = vector.load %arg2[%get3A, %get3A_0, %get3A_1] : memref<1x2048x128xf32, #tpu.memory_space<vmem>>, vector<1x2048x128xf32>
    %get3A_3 = vector.shape_cast %get3A_2 : vector<1x2048x128xf32> to vector<2048x128xf32>
    %get3A_4 = arith.constant 0 : index
    %get3A_5 = arith.constant 0 : index
    %get3A_6 = vector.load %arg3[%get3A_4, %get3A_5] : memref<64x128xf32, #tpu.memory_space<vmem>>, vector<64x128xf32>
    %dot_general3A = arith.constant dense<0.000000e+00> : vector<2048x64xf32>
    %dot_general3A_7 = tpu.matmul %get3A_3, %get3A_6, %dot_general3A {dimension_numbers = #tpu.dot_dimension_numbers<[1], [1], [0], [0], [0, 0, 1, 0], [], []>, transpose_lhs_hint = false} : vector<2048x128xf32>, vector<64x128xf32>, vector<2048x64xf32> -> vector<2048x64xf32>
    %mul3A = arith.mulf %dot_general3A_7, %dot_general3A_7 : vector<2048x64xf32>
    %broadcast_in_dim3A = arith.constant 1.000000e+00 : f32
    %broadcast_in_dim3A_8 = vector.broadcast %broadcast_in_dim3A : f32 to vector<64x8xf32>
    %dot_general3A_9 = arith.constant dense<0.000000e+00> : vector<2048x8xf32>
    %dot_general3A_10 = tpu.matmul %mul3A, %broadcast_in_dim3A_8, %dot_general3A_9 {dimension_numbers = #tpu.dot_dimension_numbers<[1], [0], [0], [1], [0, 0, 1, 1], [], []>, precision = #tpu.contract_precision<fp32>, transpose_lhs_hint = false} : vector<2048x64xf32>, vector<64x8xf32>, vector<2048x8xf32> -> vector<2048x8xf32>
    %slice3A = vector.extract_strided_slice %dot_general3A_10 {offsets = [0, 0], sizes = [2048, 1], strides = [1, 1]} : vector<2048x8xf32> to vector<2048x1xf32>
    %sqrt3A = math.sqrt %slice3A : vector<2048x1xf32>
    %max3A = arith.constant 9.99999996E-13 : f32
    %max3A_11 = vector.broadcast %max3A : f32 to vector<2048x1xf32>
    %max3A_12 = arith.maximumf %sqrt3A, %max3A_11 : vector<2048x1xf32>
    %div3A = vector.broadcast %max3A_12 : vector<2048x1xf32> to vector<2048x64xf32>
    %div3A_13 = arith.divf %dot_general3A_7, %div3A : vector<2048x64xf32>
    %convert_element_type3A = arith.truncf %div3A_13 : vector<2048x64xf32> to vector<2048x64xbf16>
    %get3A_14 = arith.constant 0 : index
    %get3A_15 = arith.constant 0 : index
    %get3A_16 = vector.load %arg4[%get3A_14, %get3A_15] : memref<64x128xf32, #tpu.memory_space<vmem>>, vector<64x128xf32>
    %dot_general3A_17 = arith.constant dense<0.000000e+00> : vector<2048x64xf32>
    %dot_general3A_18 = tpu.matmul %get3A_3, %get3A_16, %dot_general3A_17 {dimension_numbers = #tpu.dot_dimension_numbers<[1], [1], [0], [0], [0, 0, 1, 0], [], []>, transpose_lhs_hint = false} : vector<2048x128xf32>, vector<64x128xf32>, vector<2048x64xf32> -> vector<2048x64xf32>
    %get3A_19 = arith.constant 0 : index
    %get3A_20 = arith.constant 0 : index
    %get3A_21 = arith.constant 0 : index
    %get3A_22 = vector.load %arg1[%get3A_19, %get3A_20, %get3A_21] : memref<1x2048x64xbf16, #tpu.memory_space<vmem>>, vector<1x2048x64xbf16>
    %get3A_23 = vector.shape_cast %get3A_22 : vector<1x2048x64xbf16> to vector<2048x64xbf16>
    %dot_general3A_24 = arith.constant dense<0.000000e+00> : vector<2048x2048xf32>
    %dot_general3A_25 = tpu.matmul %get3A_23, %convert_element_type3A, %dot_general3A_24 {dimension_numbers = #tpu.dot_dimension_numbers<[1], [1], [0], [0], [0, 0, 1, 0], [], []>, transpose_lhs_hint = false} : vector<2048x64xbf16>, vector<2048x64xbf16>, vector<2048x2048xf32> -> vector<2048x2048xf32>
    %reduce_max3A = arith.constant dense<0xFF800000> : vector<2048xf32>
    %reduce_max3A_26 = vector.multi_reduction <maximumf>, %dot_general3A_25, %reduce_max3A [1] : vector<2048x2048xf32> to vector<2048xf32>
    %broadcast_in_dim3A_27 = vector.shape_cast %reduce_max3A_26 : vector<2048xf32> to vector<2048x1xf32>
    %sub3A = vector.broadcast %broadcast_in_dim3A_27 : vector<2048x1xf32> to vector<2048x2048xf32>
    %sub3A_28 = arith.subf %dot_general3A_25, %sub3A : vector<2048x2048xf32>
    %exp3A = math.exp %sub3A_28 : vector<2048x2048xf32>
    %reduce_sum3A = arith.constant dense<0.000000e+00> : vector<2048xf32>
    %reduce_sum3A_29 = vector.multi_reduction <add>, %exp3A, %reduce_sum3A [1] : vector<2048x2048xf32> to vector<2048xf32>
    %broadcast_in_dim3A_30 = vector.shape_cast %reduce_sum3A_29 : vector<2048xf32> to vector<2048x1xf32>
    %dot_general3A_31 = arith.constant dense<0.000000e+00> : vector<2048x64xf32>
    %dot_general3A_32 = tpu.matmul %exp3A, %dot_general3A_18, %dot_general3A_31 {dimension_numbers = #tpu.dot_dimension_numbers<[1], [0], [0], [1], [0, 0, 1, 1], [], []>, transpose_lhs_hint = false} : vector<2048x2048xf32>, vector<2048x64xf32>, vector<2048x64xf32> -> vector<2048x64xf32>
    %div3A_33 = vector.broadcast %broadcast_in_dim3A_30 : vector<2048x1xf32> to vector<2048x64xf32>
    %div3A_34 = arith.divf %dot_general3A_32, %div3A_33 : vector<2048x64xf32>
    %swap3A = arith.constant 0 : index
    %swap3A_35 = arith.constant 0 : index
    %swap3A_36 = arith.constant 0 : index
    %swap3A_37 = vector.load %arg5[%swap3A, %swap3A_35, %swap3A_36] : memref<1x2048x64xf32, #tpu.memory_space<vmem>>, vector<1x2048x64xf32>
    %swap3A_38 = vector.shape_cast %swap3A_37 : vector<1x2048x64xf32> to vector<2048x64xf32>
    %swap3A_39 = vector.shape_cast %div3A_34 : vector<2048x64xf32> to vector<1x2048x64xf32>
    tpu.vector_store %arg5[%swap3A, %swap3A_35, %swap3A_36], %swap3A_39 {strides = array<i32>} : memref<1x2048x64xf32, #tpu.memory_space<vmem>>, vector<1x2048x64xf32>,
    return
  }
  func.func @transform_0(%arg0: i32) -> (i32, i32, i32) {
    %c0_i32 = arith.constant 0 : i32
    %c0_i32_0 = arith.constant 0 : i32
    %c0_i32_1 = arith.constant 0 : i32
    return %arg0, %c0_i32, %c0_i32_0 : i32, i32, i32
  }
  func.func @transform_1(%arg0: i32) -> (i32, i32, i32) {
    %c0_i32 = arith.constant 0 : i32
    %c0_i32_0 = arith.constant 0 : i32
    %c0_i32_1 = arith.constant 0 : i32
    return %arg0, %c0_i32, %c0_i32_0 : i32, i32, i32
  }
  func.func @transform_2(%arg0: i32) -> (i32, i32) {
    %c0_i32 = arith.constant 0 : i32
    %c0_i32_0 = arith.constant 0 : i32
    return %arg0, %c0_i32 : i32, i32
  }
  func.func @transform_3(%arg0: i32) -> (i32, i32) {
    %c0_i32 = arith.constant 0 : i32
    %c0_i32_0 = arith.constant 0 : i32
    return %arg0, %c0_i32 : i32, i32
  }
  func.func @transform_4(%arg0: i32) -> (i32, i32, i32) {
    %c0_i32 = arith.constant 0 : i32
    %c0_i32_0 = arith.constant 0 : i32
    %c0_i32_1 = arith.constant 0 : i32
    return %arg0, %c0_i32, %c0_i32_0 : i32, i32, i32
  }
}

module attributes {stable_mosaic.version = 14 : i64} {
  func.func @_out_body(%arg0: memref<8x2048x64xf32, #tpu.memory_space<vmem>>, %arg1: memref<128x512xf32, #tpu.memory_space<vmem>>, %arg2: memref<128x1xf32, #tpu.memory_space<vmem>>, %arg3: memref<128x1xf32, #tpu.memory_space<vmem>>, %arg4: memref<128x2048xf32, #tpu.memory_space<vmem>>, %arg5: memref<1x1xf32, #tpu.memory_space<vmem>>, %arg6: memref<128x2048xf32, #tpu.memory_space<vmem>>) attributes {dimension_semantics = [], scalar_prefetch = 0 : i64, scratch_operands = 0 : i64, tpu.core_type = #tpu.core_type<tc>} {
    %get3A = arith.constant 0 : index
    %get3A_0 = arith.constant 0 : index
    %get3A_1 = arith.constant 0 : index
    %get3A_2 = vector.load %arg0[%get3A, %get3A_0, %get3A_1] : memref<8x2048x64xf32, #tpu.memory_space<vmem>>, vector<1x2048x64xf32>
    %get3A_3 = vector.shape_cast %get3A_2 : vector<1x2048x64xf32> to vector<2048x64xf32>
    %get3A_4 = arith.constant 1 : index
    %get3A_5 = arith.constant 0 : index
    %get3A_6 = arith.constant 0 : index
    %get3A_7 = vector.load %arg0[%get3A_4, %get3A_5, %get3A_6] : memref<8x2048x64xf32, #tpu.memory_space<vmem>>, vector<1x2048x64xf32>
    %get3A_8 = vector.shape_cast %get3A_7 : vector<1x2048x64xf32> to vector<2048x64xf32>
    %get3A_9 = arith.constant 2 : index
    %get3A_10 = arith.constant 0 : index
    %get3A_11 = arith.constant 0 : index
    %get3A_12 = vector.load %arg0[%get3A_9, %get3A_10, %get3A_11] : memref<8x2048x64xf32, #tpu.memory_space<vmem>>, vector<1x2048x64xf32>
    %get3A_13 = vector.shape_cast %get3A_12 : vector<1x2048x64xf32> to vector<2048x64xf32>
    %get3A_14 = arith.constant 3 : index
    %get3A_15 = arith.constant 0 : index
    %get3A_16 = arith.constant 0 : index
    %get3A_17 = vector.load %arg0[%get3A_14, %get3A_15, %get3A_16] : memref<8x2048x64xf32, #tpu.memory_space<vmem>>, vector<1x2048x64xf32>
    %get3A_18 = vector.shape_cast %get3A_17 : vector<1x2048x64xf32> to vector<2048x64xf32>
    %get3A_19 = arith.constant 4 : index
    %get3A_20 = arith.constant 0 : index
    %get3A_21 = arith.constant 0 : index
    %get3A_22 = vector.load %arg0[%get3A_19, %get3A_20, %get3A_21] : memref<8x2048x64xf32, #tpu.memory_space<vmem>>, vector<1x2048x64xf32>
    %get3A_23 = vector.shape_cast %get3A_22 : vector<1x2048x64xf32> to vector<2048x64xf32>
    %get3A_24 = arith.constant 5 : index
    %get3A_25 = arith.constant 0 : index
    %get3A_26 = arith.constant 0 : index
    %get3A_27 = vector.load %arg0[%get3A_24, %get3A_25, %get3A_26] : memref<8x2048x64xf32, #tpu.memory_space<vmem>>, vector<1x2048x64xf32>
    %get3A_28 = vector.shape_cast %get3A_27 : vector<1x2048x64xf32> to vector<2048x64xf32>
    %get3A_29 = arith.constant 6 : index
    %get3A_30 = arith.constant 0 : index
    %get3A_31 = arith.constant 0 : index
    %get3A_32 = vector.load %arg0[%get3A_29, %get3A_30, %get3A_31] : memref<8x2048x64xf32, #tpu.memory_space<vmem>>, vector<1x2048x64xf32>
    %get3A_33 = vector.shape_cast %get3A_32 : vector<1x2048x64xf32> to vector<2048x64xf32>
    %get3A_34 = arith.constant 7 : index
    %get3A_35 = arith.constant 0 : index
    %get3A_36 = arith.constant 0 : index
    %get3A_37 = vector.load %arg0[%get3A_34, %get3A_35, %get3A_36] : memref<8x2048x64xf32, #tpu.memory_space<vmem>>, vector<1x2048x64xf32>
    %get3A_38 = vector.shape_cast %get3A_37 : vector<1x2048x64xf32> to vector<2048x64xf32>
    %concatenate3A = tpu.concatenate %get3A_3, %get3A_8, %get3A_13, %get3A_18, %get3A_23, %get3A_28, %get3A_33, %get3A_38 in 1 : vector<2048x64xf32>, vector<2048x64xf32>, vector<2048x64xf32>, vector<2048x64xf32>, vector<2048x64xf32>, vector<2048x64xf32>, vector<2048x64xf32>, vector<2048x64xf32> -> vector<2048x512xf32>
    %get3A_39 = arith.constant 0 : index
    %get3A_40 = arith.constant 0 : index
    %get3A_41 = vector.load %arg1[%get3A_39, %get3A_40] : memref<128x512xf32, #tpu.memory_space<vmem>>, vector<128x512xf32>
    %dot_general3A = arith.constant dense<0.000000e+00> : vector<128x2048xf32>
    %dot_general3A_42 = tpu.matmul %get3A_41, %concatenate3A, %dot_general3A {dimension_numbers = #tpu.dot_dimension_numbers<[1], [1], [0], [0], [0, 0, 1, 0], [], []>, transpose_lhs_hint = false} : vector<128x512xf32>, vector<2048x512xf32>, vector<128x2048xf32> -> vector<128x2048xf32>
    %reduce_sum3A = arith.constant dense<0.000000e+00> : vector<2048xf32>
    %reduce_sum3A_43 = vector.multi_reduction <add>, %dot_general3A_42, %reduce_sum3A [0] : vector<128x2048xf32> to vector<2048xf32>
    %broadcast_in_dim3A = vector.shape_cast %reduce_sum3A_43 : vector<2048xf32> to vector<1x2048xf32>
    %div3A = arith.constant 1.280000e+02 : f32
    %div3A_44 = vector.broadcast %div3A : f32 to vector<1x2048xf32>
    %div3A_45 = arith.divf %broadcast_in_dim3A, %div3A_44 : vector<1x2048xf32>
    %sub3A = vector.broadcast %div3A_45 : vector<1x2048xf32> to vector<128x2048xf32>
    %sub3A_46 = arith.subf %dot_general3A_42, %sub3A : vector<128x2048xf32>
    %integer_pow3A = arith.mulf %sub3A_46, %sub3A_46 : vector<128x2048xf32>
    %reduce_sum3A_47 = arith.constant dense<0.000000e+00> : vector<2048xf32>
    %reduce_sum3A_48 = vector.multi_reduction <add>, %integer_pow3A, %reduce_sum3A_47 [0] : vector<128x2048xf32> to vector<2048xf32>
    %broadcast_in_dim3A_49 = vector.shape_cast %reduce_sum3A_48 : vector<2048xf32> to vector<1x2048xf32>
    %div3A_50 = arith.constant 1.280000e+02 : f32
    %div3A_51 = vector.broadcast %div3A_50 : f32 to vector<1x2048xf32>
    %div3A_52 = arith.divf %broadcast_in_dim3A_49, %div3A_51 : vector<1x2048xf32>
    %get3A_53 = arith.constant 0 : index
    %get3A_54 = arith.constant 0 : index
    %get3A_55 = vector.load %arg2[%get3A_53, %get3A_54] : memref<128x1xf32, #tpu.memory_space<vmem>>, vector<128x1xf32>
    %sub3A_56 = vector.broadcast %div3A_45 : vector<1x2048xf32> to vector<128x2048xf32>
    %sub3A_57 = arith.subf %dot_general3A_42, %sub3A_56 : vector<128x2048xf32>
    %mul3A = vector.broadcast %get3A_55 : vector<128x1xf32> to vector<128x2048xf32>
    %mul3A_58 = arith.mulf %mul3A, %sub3A_57 : vector<128x2048xf32>
    %sqrt3A = math.sqrt %div3A_52 : vector<1x2048xf32>
    %add3A = arith.constant 9.99999997E-7 : f32
    %add3A_59 = vector.broadcast %add3A : f32 to vector<1x2048xf32>
    %add3A_60 = arith.addf %sqrt3A, %add3A_59 : vector<1x2048xf32>
    %div3A_61 = vector.broadcast %add3A_60 : vector<1x2048xf32> to vector<128x2048xf32>
    %div3A_62 = arith.divf %mul3A_58, %div3A_61 : vector<128x2048xf32>
    %get3A_63 = arith.constant 0 : index
    %get3A_64 = arith.constant 0 : index
    %get3A_65 = vector.load %arg3[%get3A_63, %get3A_64] : memref<128x1xf32, #tpu.memory_space<vmem>>, vector<128x1xf32>
    %add3A_66 = vector.broadcast %get3A_65 : vector<128x1xf32> to vector<128x2048xf32>
    %add3A_67 = arith.addf %div3A_62, %add3A_66 : vector<128x2048xf32>
    %get3A_68 = arith.constant 0 : index
    %get3A_69 = arith.constant 0 : index
    %get3A_70 = vector.load %arg5[%get3A_68, %get3A_69] : memref<1x1xf32, #tpu.memory_space<vmem>>, vector<1x1xf32>
    %get3A_71 = vector.extract %get3A_70[0, 0] : f32 from vector<1x1xf32>
    %mul3A_72 = vector.broadcast %get3A_71 : f32 to vector<128x2048xf32>
    %mul3A_73 = arith.mulf %mul3A_72, %add3A_67 : vector<128x2048xf32>
    %get3A_74 = arith.constant 0 : index
    %get3A_75 = arith.constant 0 : index
    %get3A_76 = vector.load %arg4[%get3A_74, %get3A_75] : memref<128x2048xf32, #tpu.memory_space<vmem>>, vector<128x2048xf32>
    %add3A_77 = arith.addf %mul3A_73, %get3A_76 : vector<128x2048xf32>
    %swap3A = arith.constant 0 : index
    %swap3A_78 = arith.constant 0 : index
    %swap3A_79 = vector.load %arg6[%swap3A, %swap3A_78] : memref<128x2048xf32, #tpu.memory_space<vmem>>, vector<128x2048xf32>
    tpu.vector_store %arg6[%swap3A, %swap3A_78], %add3A_77 {strides = array<i32>} : memref<128x2048xf32, #tpu.memory_space<vmem>>, vector<128x2048xf32>,
    return
  }
}

</mosaic_0001>

<sc_bundles>
// kernel: kernel.8.cloned.1.call-start
scs
__scs_entry_jumppad:
0x0: {  	(pc) =	sbr.rel $0x88, $3  }
0x1: {  	(tag) =	ssettag $0x0;
	lr =	simm.s32 $0x1  }
0x2: {  	[smem:$0x3F95] =	sst lr;
	_ =	strace $0xD0000000  }
0x3: {  	_ = 	snop  }
0x4: {  	_ = 	snop  }
0x5: {  	_ = 	snop  }
0x6: {  	_ = 	snop  }
0x7: {  	_ = 	snop  }
__scs_overlays_trampoline_lowered:
0x8: {  	[smem:$0x3FA4] =	sst s0  }
0x9: {  	[smem:$0x3FA5] =	sst s1  }
0xa: {  	[smem:$0x3FA6] =	sst s2  }
0xb: {  	[smem:$0x3FA7] =	sst s3  }
0xc: {  	[smem:$0x3FA8] =	sst s4  }
0xd: {  	[smem:$0x3FA9] =	sst s5  }
0xe: {  	[smem:$0x3FAA] =	sst s6  }
0xf: {  	[smem:$0x3FAB] =	sst s7  }
0x10: {  	[smem:$0x3FAC] =	sst s8  }
0x11: {  	[smem:$0x3FAD] =	sst s9;
	s0 =	simm.s32 @!p0 $0x0  }
0x12: {  	s1 =	sld [smem:$0x3F93];
	s0 =	simm.s32 @p0 $0x1  }
0x13: {  	[smem:$0x3FAE] =	sst s0;
	s0 =	simm.s32 @!p1 $0x0  }
0x14: {  	s2 =	sld [smem:$0x3F92];
	s0 =	simm.s32 @p1 $0x1  }
0x15: {  	[smem:$0x3FAF] =	sst s0;
	s0 =	simm.s32 @!p2 $0x0  }
0x16: {  	s3 =	sld [smem:$0x3FDB];
	s0 =	simm.s32 @p2 $0x1  }
0x17: {  	s4 =	simm.s32 $0x1BF5;
	[smem:$0x3FB1] =	sst s0  }
0x18: {  	s0 =	sld [smem:$0x3F94];
	_ =	swait.ge [sflag:s4], $0x0  }
0x19: {  	s7 =	sld [smem:$0x3F95]  }
0x1a: {  	s8 =	sadd.s32 $0xFFFFE003, lr  }
0x1b: {  	s9 =	sadd.s32 $0xFFFFFEF7, lr;
	s5 =	simm.s32 $0xFFFFFFFF;
	p2 =	slt.u32 s8, $0xFFFFF086  }
0x1c: {  	p1 =	slt.u32 s9, $0xF7A;
	s5 =	simm.s32 @!p2 $0x0  }
0x1d: {  	s5 =	simm.s32 @p1 $0x1;
	p0 =	seq.s32 s7, s2  }
0x1e: {  	s7 =	smul.u32 @!p0 $0xF7A, s2;
	p2 =	seq.s32 @!p0 s5, $0x0  }
0x1f: {  	s9 =	smul.u32 $0xF7A, s1;
	s8 =	simm.s32 @!p0 $0x1BF5;
	p2 =	por !p2, p0  }
0x20: {  	[sflag:s8] =	ssyncset.s32 @!p0 $0xFFFFF086;
	s6 =	sadd.s32 @!p0 s3, s7;
	s7 =	simm.s32 @!p0 $0x108  }
0x21: {  	s3 =	sadd.s32 s3, s9;
	s6 =	sadd.s32 @!p0 $0x88, s6;
	s7 =	simm.s32 @p2 $0x1082  }
0x22: {  	[simem:s7], [sflag:s8] =	dma.local @!p0 [hbm:s6], $0xF7A  }
0x23: {  	s9 =	sor.u32 $0xD0000000, s2;
	s6 =	simm.s32 $0x108;
	_ =	swait.ge @!p0 [sflag:s8], $0x0  }
0x24: {  	s3 =	sadd.s32 $0x88, s3;
	s6 =	simm.s32 @!p1 $0x1082;
	[sflag:s4] =	ssyncset.s32 $0xFFFFF086  }
0x25: {  	[simem:s6], [sflag:s4] =	dma.local [hbm:s3], $0xF7A  }
0x26: {  	[smem:$0x3F95] =	sst s1;
	(tag) =	ssettag s2;
	_ =	strace s9  }
0x27: {  	s1 =	sld [smem:$0x3FA5]  }
0x28: {  	s2 =	sld [smem:$0x3FA6]  }
0x29: {  	s4 =	sld [smem:$0x3FA8]  }
0x2a: {  	p0 =	seq.s32 s5, $0x0;
	s5 =	sld [smem:$0x3FA9]  }
0x2b: {  	s6 =	sld [smem:$0x3FAA]  }
0x2c: {  	s7 =	sld [smem:$0x3FAB]  }
0x2d: {  	s3 =	simm.s32 $0x108;
	s8 =	sld [smem:$0x3FAC]  }
0x2e: {  	s3 =	simm.s32 @!p0 $0x1082;
	s9 =	sld [smem:$0x3FAD]  }
0x2f: {  	lr =	sadd.s32 s0, s3;
	s0 =	sld [smem:$0x3FA4]  }
0x30: {  	s3 =	sld [smem:$0x3FA7]  }
0x31: {  	[smem:$0x3FB0] =	sst s10  }
0x32: {  	s10 =	sld [smem:$0x3FAE];
	_ =	sdelay $0x3  }
0x33: {  	p0 =	seq.s32 s10, $0x1;
	s10 =	sld [smem:$0x3FB0];
	_ =	sdelay $0x3  }
0x34: {  	[smem:$0x3FB0] =	sst s10  }
0x35: {  	s10 =	sld [smem:$0x3FAF];
	_ =	sdelay $0x3  }
0x36: {  	p1 =	seq.s32 s10, $0x1;
	s10 =	sld [smem:$0x3FB0];
	_ =	sdelay $0x3  }
0x37: {  	[smem:$0x3FB0] =	sst s10  }
0x38: {  	s10 =	sld [smem:$0x3FB1]  }
0x39: {  	_ = 	snop;
	(pc) =	sbr.ind lr, $3  }
0x3a: {  	_ = 	snop  }
0x3b: {  	_ = 	snop  }
0x3c: {  	p2 =	seq.s32 s10, $0x1;
	s10 =	sld [smem:$0x3FB0]  }
0x3d: {  	_ =	shalt  }
0x3e: {  	_ =	shalt  }
0x3f: {  	_ =	shalt  }
0x40: {  	_ =	shalt  }
0x41: {  	_ =	shalt  }
0x42: {  	_ =	shalt  }
0x43: {  	_ =	shalt  }
0x44: {  	_ =	shalt  }
0x45: {  	_ =	shalt  }
0x46: {  	_ =	shalt  }
0x47: {  	_ =	shalt  }
0x48: {  	_ =	shalt  }
0x49: {  	_ =	shalt  }
0x4a: {  	_ =	shalt  }
0x4b: {  	_ =	shalt  }
0x4c: {  	_ =	shalt  }
0x4d: {  	_ =	shalt  }
0x4e: {  	_ =	shalt  }
0x4f: {  	_ =	shalt  }
0x50: {  	_ =	shalt  }
0x51: {  	_ =	shalt  }
0x52: {  	_ =	shalt  }
0x53: {  	_ =	shalt  }
0x54: {  	_ =	shalt  }
0x55: {  	_ =	shalt  }
0x56: {  	_ =	shalt  }
0x57: {  	_ =	shalt  }
0x58: {  	_ =	shalt  }
0x59: {  	_ =	shalt  }
0x5a: {  	_ =	shalt  }
0x5b: {  	_ =	shalt  }
0x5c: {  	_ =	shalt  }
0x5d: {  	_ =	shalt  }
0x5e: {  	_ =	shalt  }
0x5f: {  	_ =	shalt  }
0x60: {  	_ =	shalt  }
0x61: {  	_ =	shalt  }
0x62: {  	_ =	shalt  }
0x63: {  	_ =	shalt  }
0x64: {  	_ =	shalt  }
0x65: {  	_ =	shalt  }
0x66: {  	_ =	shalt  }
0x67: {  	_ =	shalt  }
0x68: {  	_ =	shalt  }
0x69: {  	_ =	shalt  }
0x6a: {  	_ =	shalt  }
0x6b: {  	_ =	shalt  }
0x6c: {  	_ =	shalt  }
0x6d: {  	_ =	shalt  }
0x6e: {  	_ =	shalt  }
0x6f: {  	_ =	shalt  }
0x70: {  	_ =	shalt  }
0x71: {  	_ =	shalt  }
0x72: {  	_ =	shalt  }
0x73: {  	_ =	shalt  }
0x74: {  	_ =	shalt  }
0x75: {  	_ =	shalt  }
0x76: {  	_ =	shalt  }
0x77: {  	_ =	shalt  }
0x78: {  	_ =	shalt  }
0x79: {  	_ =	shalt  }
0x7a: {  	_ =	shalt  }
0x7b: {  	_ =	shalt  }
0x7c: {  	_ =	shalt  }
0x7d: {  	_ =	shalt  }
0x7e: {  	_ =	shalt  }
0x7f: {  	_ =	shalt  }
0x80: {  	_ =	shalt  }
0x81: {  	_ =	shalt  }
0x82: {  	_ =	shalt  }
0x83: {  	_ =	shalt  }
0x84: {  	_ =	shalt  }
0x85: {  	_ =	shalt  }
0x86: {  	_ =	shalt  }
0x87: {  	_ =	shalt  }
.Lfunc_end0:
.L_simem_size_0:
called_computation_lowered:
.L_overlay_start_0:
0x88: {  	s2 =	sld [smem:$0x3FD9]  }
0x89: {  	s3 =	sld [smem:$0x3FFE];
	_ =	sdelay $0x1  }
0x8a: {  	s1 =	srdreg.scid  }
0x8b: {  	s0 =	sand.u32 $0x1, s1  }
0x8c: {  	s17 =	sshll.u32 s0, $0xA;
	s2 =	sadd.s32 s3, s2  }
0x8d: {  	s2 =	sadd.s32 s2, s17  }
0x8e: {  	[smem:$0x3FBC] =	sst s2  }
0x8f: {  	_ = 	snop  }
0x90: {  	s2 =	sld [smem:$0x3FD0];
	(tm) =	ssettm $0x1  }
0x91: {  	s18 =	sld [smem:$0x3FFB];
	_ =	sdelay $0x3  }
0x92: {  	_ =	strace s18  }
0x93: {  	s3 =	sld [smem:$0x3FFC];
	_ =	sdelay $0x3  }
0x94: {  	_ =	strace s3  }
0x95: {  	s3 =	sld [smem:$0x3FFD];
	_ =	sdelay $0x3  }
0x96: {  	_ =	strace s3  }
0x97: {  	_ =	strace $0x8FFFFFFF  }
0x98: {  	s19 =	sld [smem:$0x3FDB];
	_ =	sdelay $0x1  }
0x99: {  	s4 =	simm.s32 $_scs_section_size  }
0x9a: {  	s5 =	simm.s32 $_size__tile_overlayer_lowered;
	s6 =	simm.s32 $_tile_overlayer_lowered  }
0x9b: {  	s22 =	simm.s32 $0x1BFF;
	s21 =	sshll.u32 s6, $0x1;
	s3 =	sadd.s32 s4, s19  }
0x9c: {  	s7 =	simm.s32 $0x0;
	s20 =	sshll.u32 s5, $0x1;
	s5 =	sadd.s32 s21, s3  }
0x9d: {  	[timem:s7], [sflag:s22] =	dma.local [hbm:s5], s20  }
0x9e: {  	_ =	swait.ge [sflag:s22], s20  }
0x9f: {  	s4 =	ssub.s32 $0x0, s20;
	[sflag:s22] =	ssyncset.done $0x0  }
0xa0: {  	[sflag:s22] =	ssyncadd.s32 s4;
	_ =	sdelay $0x1  }
0xa1: {  	s23 =	simm.s32 $0x1B8B  }
0xa2: {  	_ =	swait.ge [sflag:s23], $0x1  }
0xa3: {  	[sflag:s23] =	ssyncset.done $0x0  }
0xa4: {  	s25 =	simm.s32 $0x1B8E;
	s24 =	sld [smem:$0x3FFE];
	[sflag:s23] =	ssyncadd.s32 $0xFFFFFFFF  }
0xa5: {  	s26 =	simm.s32 $execute0_lowered;
	[smem:$0x3FD2] =	sst s25  }
0xa6: {  	s5 =	sshll.u32 s26, $0x1;
	_ =	strace $0x80000046;
	[dreg:$0x1] =	wrdreg $0xFFFFFFFF  }
0xa7: {  	s28 =	simm.s32 $_size_execute0_lowered;
	s3 =	sadd.s32 s3, s5;
	[dreg:$0x0] =	wrdreg $0x0  }
0xa8: {  	s5 =	sshll.u32 s28, $0x1;
	[dreg:$0x2] =	wrdreg s3  }
0xa9: {  	[dreg:$0x3] =	wrdreg s5  }
0xaa: {  	[dreg:$0x4] =	wrdreg $0xC0  }
0xab: {  	_ =	task [dreg:s7], $0x5FFFF  }
0xac: {  	[dreg:$0x1] =	wrdreg $0xFFFFFFFF  }
0xad: {  	[dreg:$0x0] =	wrdreg $0x60  }
0xae: {  	[dreg:$0x2] =	wrdreg s24  }
0xaf: {  	[dreg:$0x3] =	wrdreg s2  }
0xb0: {  	[dreg:$0x4] =	wrdreg $0x9  }
0xb1: {  	_ =	task.clear_ibuf [dreg:s7], $0x5FFFF;
	_ =	strace $0x90000046  }
0xb2: {  	s29 =	simm.s32 $0x9;
	_ =	strace $0x8000004F  }
0xb3: {  	_ =	swait.ge [sflag:s29], $0x1  }
0xb4: {  	[sflag:s29] =	ssyncadd.s32 $0xFFFFFFFF  }
0xb5: {  	_ =	strace $0x9000004F  }
0xb6: {  	_ =	sfence  }
0xb7: {  	s30 =	sld [smem:$0x0];
	_ =	sdelay $0x2  }
0xb8: {  	s31 =	sshll.u32 s1, $0xD;
	s1 =	sshrl.u32 s1, $0x2  }
0xb9: {  	s3 =	sand.u32 $0x4000, s31;
	s1 =	sadd.s32 s1, s30  }
0xba: {  	s0 =	sor.u32 s3, s0;
	s1 =	sshll.u32 s1, $0x11  }
0xbb: {  	s0 =	sor.u32 s1, s0  }
0xbc: {  	s0 =	sadd.s32 $0x8F2B, s0  }
0xbd: {  	[sflag:s0] =	ssyncadd.remote.s32 $0x1  }
0xbe: {  	_ =	sfence.sel $0xFFFF  }
0xbf: {  	[dreg:$0x0] =	wrdreg $0xFFFFFFFF;
	(pc) =	sbr.abs _section_cstart, $3  }
0xc0: {  	[dreg:$0x1] =	wrdreg $0xFFFFFFFF  }
0xc1: {  	_ =	task.clear_ibuf [dreg:s7], $0x2FFFF;
	_ =	strace $0x9FFFFFFF  }
0xc2: {  	(tm) =	ssettm $0x7FFFFFFF  }
0xc3: {  	_ =	shalt  }
tec
execute0_lowered:
.L_overlay_start_1:
0x0: {  	(tag) =	ssettag $0x1  }
0x1: {  	s3 =	rddreg [dreg:$0x0]  }
0x2: {  	s1 =	rddreg [dreg:$0x1]  }
0x3: {  	s0 =	rddreg [dreg:$0x2];
	s2 =	simm.s32 $0x0;
	s4 =	srdreg.scid  }
0x4: {  	s8 =	simm.s32 $0x80;
	s7 =	simm.s32 $0x1;
	s9 =	simm.s32 $0x4  }
0x5: {  	s10 =	simm.s32 $0x0;
	[smem:$0x7FF] =	sst s2;
	s5 =	sadd.s32 $0x2400, s3  }
0x6: {  	s4 =	sand.u32 $0x1, s4;
	s30 =	sadd.s32 $0x42400, s3;
	s3 =	stileid.u32  }
0x7: {  	_ =	strace $0x80000047;
	[dreg:$0x3] =	wrdreg s5;
	s4 =	ssub.s32 $0x2, s4  }
0x8: {  	[dreg:$0x5] =	wrdreg s30;
	s31 =	sshll.u32 s3, $0x7;
	s6 =	sshrl.u32 s4, $0x1  }
0x9: {  	[dreg:$0x4] =	wrdreg s8;
	s8 =	simm.s32 $0x5;
	s6 =	ssub.s32 s4, s6  }
0xa: {  	s5 =	sadd.s32 s1, s31;
	s4 =	sshll.u32 s3, $0x3;
	s6 =	smax.u32 s6, $0x1  }
.LBB2_1:
0xb: {  	_ =	strace $0x80000048;
	s11 =	simm.s32 $0x1;
	p0 =	por $0x0, $0x0  }
0xc: {  	[tilespmem:s2], [sflag:$0x1] =	stream.linear.gather [hbm4b:s5+s2], $0x80, $0x200038;
	[tilespmem:$0x8100] =	vst v63  }
0xd: {  	s11 =	simm.s32 @p0 $0x0  }
0xe: {  	p4 =	por $0x1, $0x1;
	s20 =	sand.u32 $0x1, s2;
	p1 =	sne.s32 s11, $0x0  }
0xf: {  	p2 =	por $0x1, $0x1;
	s18 =	simm.s32 $0x6;
	p0 =	por !p4, !p1  }
0x10: {  	s16 =	simm.s32 $0x0;
	p5 =	por $0x0, $0x0;
	p0 =	por !p0, !p0  }
0x11: {  	s23 =	sadd.s32 $0x0, s4;
	s30 =	sadd.s32 $0x1, s20;
	s12 =	sadd.s32 @p0 s4, s11  }
0x12: {  	_ =	strace $0x90000048;
	s13 =	sand.u32 @p0 $0x1, s7;
	s12 =	sshll.u32 @p0 s12, $0x4  }
0x13: {  	_ =	strace @p0 $0x80000049;
	s15 =	simm.s32 @p0 $0x0;
	s12 =	sand.u32 @p0 $0x1FFFFFF0, s12  }
0x14: {  	s14 =	sshll.u32 @p0 s13, $0x7;
	s13 =	sadd.s32 @p0 $0x1, s13;
	s12 =	sadd.s32 @p0 s1, s12  }
0x15: {  	[tilespmem:s14], [sflag:s13] =	stream.linear.gather @p0 [hbm4b:s12+s15], $0x80, $0x200038;
	[tilespmem:$0x8100] =	vst v63  }
0x16: {  	p3 =	por p2, p2;
	s21 =	sshll.u32 s20, $0xE;
	_ =	strace @p0 $0x90000049  }
0x17: {  	s16 =	sand.u32 $0x80, s16;
	p2 =	por p5, p5;
	_ =	strace $0x8000004A  }
0x18: {  	s17 =	sadd.s32 $0x1, s11;
	s22 =	sor.u32 $0x100, s21;
	_ =	swait.ge [sflag:s30], $0x80  }
0x19: {  	s21 =	simm.s32 $0x1;
	p6 =	por p1, p1;
	[sflag:s30] =	ssyncset.done $0x0  }
0x1a: {  	p1 =	por p3, p3;
	p4 =	por $0x1, $0x1;
	[sflag:s30] =	ssyncadd.s32 $0xFFFFFF80  }
0x1b: {  	s12 =	simm.s32 $0x7;
	s15 =	sand.u32 @!p3 $0x1, s2;
	_ =	strace $0x9000004A  }
0x1c: {  	s13 =	simm.s32 $0x1;
	p3 =	seq.s32 s17, $0x8;
	_ =	strace $0x8000004B  }
0x1d: {  	s13 =	simm.s32 @!p0 $0x0;
	s17 =	simm.s32 @p3 $0x0;
	s19 =	rddreg [dreg:$0x4]  }
0x1e: {  	p0 =	por $0x0, $0x0;
	s14 =	sadd.s32 $0x1, s13;
	s31 =	rddreg [dreg:$0x3]  }
0x1f: {  	[tilespmem:s22], [sflag:$0x5] =	stream.indirect.gather [hbm4b:s31+s19], $0x80, s16, s19, $0x2000b8;
	[tilespmem:$0x8100] =	vst v63  }
0x20: {  	p3 =	sne.s32 s11, s17;
	s21 =	simm.s32 @!p0 $0x0;
	_ =	swait.ge [sflag:s8], $0x4000  }
0x21: {  	p5 =	por !p4, !p3;
	p4 =	por $0x0, $0x0;
	[sflag:s8] =	ssyncset.done $0x0  }
0x22: {  	s13 =	simm.s32 $0x0;
	p6 =	por p4, p6;
	[sflag:s8] =	ssyncadd.s32 $0xFFFFC000  }
0x23: {  	s16 =	simm.s32 $0x0;
	s19 =	simm.s32 $0x0;
	_ =	strace $0x9000004B  }
.LBB2_2:
0x24: {  	_ =	strace @p6 $0x8000004C;
	s13 =	sadd.s32 s21, s13;
	s21 =	smov.u32 s12  }
0x25: {  	s12 =	smov.u32 s18;
	s18 =	sadd.s32 $0xFFFFFFFF, s18;
	p0 =	por p3, p3  }
0x26: {  	s28 =	sshll.u32 @p6 s23, $0xB;
	s20 =	sadd.s32 @p6 $0x3, s20;
	s24 =	simm.s32 @!p0 $0x0  }
0x27: {  	s25 =	rddreg [dreg:$0x5];
	s28 =	sand.u32 @p6 $0x1FFFF800, s28;
	s24 =	simm.s32 @p0 $0x1  }
0x28: {  	s25 =	sadd.s32 @p6 s25, s28;
	s28 =	simm.s32 @p6 $0x0;
	p0 =	sne.s32 s18, $0x0  }
0x29: {  	[hbm4b:s25+s28] =	stream.linear.scatter @p6 [tilespmem:s22], [sflag:s20], $0x4000, $0x200038;
	[tilespmem:$0x8100] =	vst v63  }
0x2a: {  	s20 =	sadd.s32 @!p1 $0x3, s15;
	s15 =	simm.s32 @!p0 $0x0  }
0x2b: {  	s26 =	simm.s32 $0x1;
	[smem:$0x7FC] =	sst s24;
	s15 =	simm.s32 @p0 $0x1  }
0x2c: {  	s26 =	simm.s32 @!p6 $0x0;
	_ =	strace @p6 $0x9000004C;
	[smem:$0x7FD] =	sst s15  }
0x2d: {  	p5 =	por !p5, !p5;
	s19 =	sadd.s32 s26, s19;
	_ =	strace @!p1 $0x8000004D  }
0x2e: {  	s24 =	sand.u32 @!p2 $0x1, s13;
	s22 =	sand.u32 @p5 $0x1, s14;
	_ =	swait.ge @!p1 [sflag:s20], $0x4000  }
0x2f: {  	s15 =	smov.u32 s24;
	s24 =	sadd.s32 @p5 s4, s17;
	[sflag:s20] =	ssyncset.done @!p1 $0x0  }
0x30: {  	s25 =	sshll.u32 @p5 s22, $0x7;
	s24 =	sshll.u32 @p5 s24, $0x4;
	[sflag:s20] =	ssyncadd.s32 @!p1 $0xFFFFC000  }
0x31: {  	s20 =	sadd.s32 @p5 $0x1, s22;
	s22 =	sand.u32 @p5 $0x1FFFFFF0, s24;
	_ =	strace @!p1 $0x9000004D  }
0x32: {  	s24 =	simm.s32 @p5 $0x0;
	s22 =	sadd.s32 @p5 s1, s22;
	_ =	strace @p5 $0x80000049  }
0x33: {  	[tilespmem:s25], [sflag:s20] =	stream.linear.gather @p5 [hbm4b:s22+s24], $0x80, $0x200038;
	[tilespmem:$0x8100] =	vst v63  }
0x34: {  	s16 =	sadd.s32 s26, s16;
	s26 =	sand.u32 $0x1, s19;
	_ =	strace @p5 $0x90000049  }
0x35: {  	s24 =	sadd.s32 $0x1, s26;
	_ =	strace $0x8000004A  }
0x36: {  	_ =	swait.ge [sflag:s24], $0x80  }
0x37: {  	[sflag:s24] =	ssyncset.done $0x0  }
0x38: {  	s20 =	simm.s32 $0x1;
	[sflag:s24] =	ssyncadd.s32 $0xFFFFFF80  }
0x39: {  	s20 =	simm.s32 @!p5 $0x0;
	_ =	strace $0x9000004A  }
0x3a: {  	s14 =	sadd.s32 s20, s14;
	s20 =	sand.u32 $0x1, s16;
	_ =	strace $0x8000004B  }
0x3b: {  	s29 =	sshll.u32 s19, $0x7;
	s25 =	sshll.u32 s20, $0xE;
	s26 =	rddreg [dreg:$0x4]  }
0x3c: {  	s29 =	sand.u32 $0x80, s29;
	s22 =	sor.u32 $0x100, s25;
	s30 =	rddreg [dreg:$0x3]  }
0x3d: {  	[tilespmem:s22], [sflag:$0x5] =	stream.indirect.gather [hbm4b:s30+s26], $0x80, s29, s26, $0x2000b8;
	[tilespmem:$0x8100] =	vst v63  }
0x3e: {  	_ =	swait.ge [sflag:s8], $0x4000  }
0x3f: {  	s31 =	sadd.s32 $0x1, s17;
	[sflag:s8] =	ssyncset.done $0x0  }
0x40: {  	s23 =	sadd.s32 s4, s11;
	s11 =	smov.u32 s17;
	[sflag:s8] =	ssyncadd.s32 $0xFFFFC000  }
0x41: {  	p3 =	seq.s32 s31, $0x8;
	s17 =	smov.u32 s31;
	_ =	strace $0x9000004B  }
0x42: {  	s17 =	simm.s32 @p3 $0x0;
	s31 =	sld [smem:$0x7FD]  }
0x43: {  	p6 =	sne.s32 s12, $0x1;
	p0 =	sne.s32 s21, $0x8;
	p3 =	sne.s32 s11, s17  }
0x44: {  	p5 =	por !p6, !p3;
	p6 =	seq.s32 s21, $0x1;
	s21 =	simm.s32 $0x1  }
0x45: {  	s21 =	simm.s32 @!p0 $0x0;
	p0 =	seq.s32 s31, $0x1  }
.Ltmp0:
0x46: {  	s30 =	sld [smem:$0x7FC];
	(pc) =	sbr.rel @p0 .LBB2_2-.Ltmp0, $4  }
0x47: {  	_ = 	snop  }
0x48: {  	p4 =	seq.s32 s12, $0x8  }
0x49: {  	p1 =	por p2, p2;
	p2 =	por p4, p4;
	p4 =	seq.s32 s30, $0x1  }
0x4a: {  	p6 =	por p6, p4  }
0x4b: {  	_ =	strace @p6 $0x8000004C;
	s23 =	sshll.u32 @p6 s23, $0xB  }
0x4c: {  	s18 =	rddreg [dreg:$0x5];
	s23 =	sand.u32 @p6 $0x1FFFF800, s23  }
0x4d: {  	s20 =	sadd.s32 @p6 $0x3, s20;
	s18 =	sadd.s32 @p6 s18, s23;
	s23 =	simm.s32 @p6 $0x0  }
0x4e: {  	[hbm4b:s18+s23] =	stream.linear.scatter @p6 [tilespmem:s22], [sflag:s20], $0x4000, $0x200038;
	[tilespmem:$0x8100] =	vst v63  }
0x4f: {  	p0 =	por !p5, !p5;
	_ =	strace @p6 $0x9000004C  }
0x50: {  	s15 =	sadd.s32 @!p1 $0x3, s15;
	s17 =	sadd.s32 @p0 s4, s17;
	_ =	strace @!p1 $0x8000004D  }
0x51: {  	s14 =	sand.u32 @p0 $0x1, s14;
	s17 =	sshll.u32 @p0 s17, $0x4;
	_ =	swait.ge @!p1 [sflag:s15], $0x4000  }
0x52: {  	s18 =	simm.s32 $0x1;
	s20 =	sshll.u32 @p0 s14, $0x7;
	[sflag:s15] =	ssyncset.done @!p1 $0x0  }
0x53: {  	s14 =	sadd.s32 @p0 $0x1, s14;
	s18 =	simm.s32 @!p6 $0x0;
	[sflag:s15] =	ssyncadd.s32 @!p1 $0xFFFFC000  }
0x54: {  	s19 =	sadd.s32 s18, s19;
	s15 =	sand.u32 @p0 $0x1FFFFFF0, s17;
	_ =	strace @!p1 $0x9000004D  }
0x55: {  	s17 =	simm.s32 @p0 $0x0;
	s15 =	sadd.s32 @p0 s1, s15;
	_ =	strace @p0 $0x80000049  }
0x56: {  	[tilespmem:s20], [sflag:s14] =	stream.linear.gather @p0 [hbm4b:s15+s17], $0x80, $0x200038;
	[tilespmem:$0x8100] =	vst v63  }
0x57: {  	s25 =	sand.u32 $0x1, s19;
	_ =	strace @p0 $0x90000049  }
0x58: {  	s14 =	sadd.s32 $0x1, s25;
	_ =	strace $0x8000004A  }
0x59: {  	_ =	swait.ge [sflag:s14], $0x80  }
0x5a: {  	[sflag:s14] =	ssyncset.done $0x0  }
0x5b: {  	[sflag:s14] =	ssyncadd.s32 $0xFFFFFF80  }
0x5c: {  	s26 =	sadd.s32 s18, s16;
	_ =	strace $0x9000004A  }
0x5d: {  	s14 =	sand.u32 $0x1, s26;
	_ =	strace $0x8000004B  }
0x5e: {  	s30 =	sshll.u32 s19, $0x7;
	s31 =	sshll.u32 s14, $0xE;
	s28 =	rddreg [dreg:$0x4]  }
0x5f: {  	s17 =	sand.u32 $0x80, s30;
	s18 =	sor.u32 $0x100, s31;
	s29 =	rddreg [dreg:$0x3]  }
0x60: {  	[tilespmem:s18], [sflag:$0x5] =	stream.indirect.gather [hbm4b:s29+s28], $0x80, s17, s28, $0x2000b8;
	[tilespmem:$0x8100] =	vst v63  }
0x61: {  	_ =	swait.ge [sflag:s8], $0x4000  }
0x62: {  	[sflag:s8] =	ssyncset.done $0x0  }
0x63: {  	p5 =	por p3, p3;
	p6 =	seq.s32 s12, $0x1;
	[sflag:s8] =	ssyncadd.s32 $0xFFFFC000  }
0x64: {  	s11 =	sadd.s32 s4, s11;
	p0 =	por p6, p5;
	_ =	strace $0x9000004B  }
0x65: {  	s11 =	sshll.u32 @p0 s11, $0xB;
	_ =	strace @p0 $0x8000004C  }
0x66: {  	s13 =	sadd.s32 s21, s13;
	s11 =	sand.u32 @p0 $0x1FFFF800, s11;
	s12 =	rddreg [dreg:$0x5]  }
0x67: {  	s14 =	sadd.s32 @p0 $0x3, s14;
	s11 =	sadd.s32 @p0 s12, s11;
	s12 =	simm.s32 @p0 $0x0  }
0x68: {  	[hbm4b:s11+s12] =	stream.linear.scatter @p0 [tilespmem:s18], [sflag:s14], $0x4000, $0x200038;
	[tilespmem:$0x8100] =	vst v63  }
0x69: {  	p1 =	por p2, p2;
	s11 =	sand.u32 @!p2 $0x1, s13;
	_ =	strace @p0 $0x9000004C  }
0x6a: {  	s11 =	sadd.s32 @!p1 $0x3, s11;
	_ =	strace @!p1 $0x8000004D  }
0x6b: {  	_ =	swait.ge @!p1 [sflag:s11], $0x4000  }
0x6c: {  	[sflag:s11] =	ssyncset.done @!p1 $0x0  }
0x6d: {  	s10 =	sadd.s32 $0x1, s10;
	[sflag:s11] =	ssyncadd.s32 @!p1 $0xFFFFC000  }
0x6e: {  	p0 =	sne.s32 s10, s6;
	_ =	strace @!p1 $0x9000004D  }
.Ltmp1:
0x6f: {  	_ =	strace $0x8000004E;
	(pc) =	sbr.rel @p0 .LBB2_1-.Ltmp1, $4  }
0x70: {  	_ =	swait.ge [sflag:s9], $0x4000  }
0x71: {  	[sflag:s9] =	ssyncset.done $0x0  }
0x72: {  	[sflag:s9] =	ssyncadd.s32 $0xFFFFC000  }
0x73: {  	_ =	strace $0x9000004E  }
0x74: {  	_ =	sfence.sel $0x180000  }
0x75: {  	[bflag:$0x0] =	sbarrier.arrive $0xFFFF  }
0x76: {  	p0 =	sne.s32 s3, $0x0;
	_ =	strace $0x90000047  }
0x77: {  	s0 =	sadd.s32 @!p0 $0x100000, s0;
	[bflag:$0x2] =	sbarrier.arrive $0xFFFF  }
0x78: {  	[sflag:s0] =	ssyncadd.tile.s32 @!p0 $0x1;
	_ =	shalt  }
.Lfunc_end2:
_tile_overlayer_lowered:
.L_overlay_start_2:
0x79: {  	(tag) =	ssettag $0x2  }
0x7a: {  	s0 =	rddreg [dreg:$0x0];
	s2 =	stileid.u32  }
0x7b: {  	s1 =	rddreg [dreg:$0x1];
	p0 =	sne.s32 s2, $0x0  }
0x7c: {  	s3 =	rddreg [dreg:$0x2];
	[bflag:$0x3] =	sbarrier.arrive $0xFFFF;
	s2 =	simm.s32 @!p0 $0x1C01  }
0x7d: {  	[timem:s3], [sflag:s2] =	dma.local @!p0 [hbm:s0], s1  }
0x7e: {  	s0 =	simm.s32 @!p0 $0x1  }
0x7f: {  	_ =	swait.ge @!p0 [sflag:s0], s1  }
0x80: {  	s1 =	ssub.s32 @!p0 $0x0, s1;
	[sflag:s0] =	ssyncset.done @!p0 $0x0  }
0x81: {  	[sflag:s0] =	ssyncadd.s32 @!p0 s1  }
0x82: {  	[bflag:$0x3] =	sbarrier.arrive $0xFFFF  }
0x83: {  	_ =	shalt  }

</sc_bundles>
